<compile_context>
chip_gen: v7x
topology: tpu7x:2x2x1
jax: 0.10.2.dev20260603
libtpu: 0.0.44.dev20260713+nightly
codegen_flags: <defaults>
</compile_context>

<pallas_src>
import functools

import jax
import jax.numpy as jnp
from jax import lax
from jax.experimental import pallas as pl
from jax.experimental.pallas import tpu as pltpu
from jax.experimental.pallas import tpu_sc as plsc
from jax._src.pallas import mpmd as pl_mpmd

B = 8
N = 2048
KC = 512
IC = 512
TZ = 512

NC = 2
NS = 16
NW = NC * NS
RPT = B * N // NW


def _rank_body(srow_ref, scol_ref, col_ref):
    scol = scol_ref[0]
    jio = jax.lax.broadcasted_iota(jnp.int32, (N, 1), 0)

    acc = None
    bacc = None
    for c in range(N // KC):
        sk = srow_ref[0, 0:1, c * KC:(c + 1) * KC]
        gt = sk > scol
        eq = sk == scol
        kio = jax.lax.broadcasted_iota(jnp.int32, (N, KC), 1) + c * KC
        cnt = jnp.where(gt, 1, 0) + jnp.where(eq, 65536, 0)
        bc = jnp.where(eq & (kio < jio), 1, 0)
        acc = cnt if acc is None else acc + cnt
        bacc = bc if bacc is None else bacc + bc
    tot = jnp.sum(acc, axis=1, keepdims=True)
    before = jnp.sum(bacc, axis=1, keepdims=True)

    lo = tot & 65535
    hi = lo + (tot >> 16)
    valid = before == 0

    for c in range(N // IC):
        iio = jax.lax.broadcasted_iota(jnp.int32, (N, IC), 1) + c * IC
        ind = (iio >= lo) & (iio < hi) & valid
        colv = jnp.sum(jnp.where(ind, jio, 0), axis=0, keepdims=True)
        col_ref[0, 0:1, c * IC:(c + 1) * IC] = colv


def _compute_cols(s):
    col3 = pl.pallas_call(
        _rank_body,
        grid=(B,),
        in_specs=[
            pl.BlockSpec((1, 1, N), lambda b: (b, 0, 0)),
            pl.BlockSpec((1, N, 1), lambda b: (b, 0, 0)),
        ],
        out_specs=pl.BlockSpec((1, 1, N), lambda b: (b, 0, 0)),
        out_shape=jax.ShapeDtypeStruct((B, 1, N), jnp.int32),
    )(s.reshape(B, 1, N), s.reshape(B, N, 1))
    return col3.reshape(B * N)


def _zero_body(out_ref):
    out_ref[...] = jnp.zeros((TZ * N,), jnp.float32)


def _tc_zero():
    return pl.pallas_call(
        _zero_body,
        grid=(B * N // TZ,),
        out_specs=pl.BlockSpec((TZ * N,), lambda t: (t,)),
        out_shape=jax.ShapeDtypeStruct((B * N * N,), jnp.float32),
    )()


def _sc_scatter_body(col_hbm, zin_hbm, out_hbm, colv, posb, ones_v, sem):
    del zin_hbm
    wid = lax.axis_index("s") * NC + lax.axis_index("c")
    base = wid * RPT
    pltpu.sync_copy(col_hbm.at[pl.ds(base, RPT)], colv)
    lane = jax.lax.broadcasted_iota(jnp.int32, (16,), 0)
    ones16 = jnp.ones((16,), jnp.float32)
    for r in range(RPT // 128):
        for u in range(8):
            g = r * 8 + u
            c16 = colv[pl.ds(g * 16, 16)]
            pos16 = (base + g * 16 + lane) * N + c16
            posb[r, pl.ds(u * 16, 16)] = pos16
            ones_v[r, pl.ds(u * 16, 16)] = ones16
    copies = [
        pltpu.async_copy(ones_v.at[r], out_hbm.at[posb.at[r]], sem)
        for r in range(RPT // 128)
    ]
    for cp in copies:
        cp.wait()


_sc_scatter = pl_mpmd._mpmd_map(
    [(plsc.VectorSubcoreMesh(core_axis_name="c", subcore_axis_name="s"),
      _sc_scatter_body)],
    jax.ShapeDtypeStruct((B * N * N,), jnp.float32),
    input_output_aliases={1: 0},
    compiler_params=pltpu.CompilerParams(needs_layout_passes=False),
    scratch_types=[
        pltpu.VMEM((RPT,), jnp.int32),
        pltpu.VMEM((RPT // 128, 128), jnp.int32),
        pltpu.VMEM((RPT // 128, 128), jnp.float32),
        pltpu.SemaphoreType.DMA,
    ],
)


def kernel(s):
    col = s.reshape(B * N).astype(jnp.int32)
    zero = _tc_zero()
    out = _sc_scatter(col, zero)
    return out

# --- scband reference (transcript-rebuilt; emitter-appended) ---
"""Pipeline reference for scband-soft-sort-48661979463846 (READ-ONLY COPY).

The authoritative reference and input builder live on the scoring server;
editing this copy changes nothing except your own understanding.
"""

import jax, jax.numpy as jnp
import numpy as np

TAU = 4.0
POW = 1.0
HARD = True

def setup_inputs(seed: int = 0) -> dict:
    key = jax.random.key(seed)
    s = jax.random.normal(key, (8, 2048), dtype=jnp.float32)
    return {"s": s}

def reference(s):
    # s: [B, N]
    su = s[:, :, None]                                   # [B, N, 1]
    # sort descending along dim=1
    s_sorted = -jnp.sort(-su, axis=1)                    # [B, N, 1]
    # pairwise_diff = (s.transpose(1,2) - s_sorted).abs().pow(POW).neg() / TAU
    pairwise_diff = -(jnp.abs(jnp.transpose(su, (0, 2, 1)) - s_sorted) ** POW) / TAU  # [B, N, N]
    p = jax.nn.softmax(pairwise_diff, axis=-1)
    if HARD:
        idx = jnp.argmax(p, axis=-1)                     # [B, N]
        hard = jax.nn.one_hot(idx, p.shape[-1], dtype=p.dtype)  # [B, N, N]
        p = jax.lax.stop_gradient(hard - p) + p
    return p

if __name__ == "__main__":
    import jax
    _d = setup_inputs()
    print(jax.jit(kernel)(*tuple(_d.values())))

</pallas_src>

<mosaic_0001>
#map = affine_map<(d0, d1) -> (0)>
module attributes {stable_mosaic.version = 14 : i64} {
  func.func @_sc_scatter_body(%arg0: i32, %arg1: i32, %arg2: memref<16384xi32, #tpu.memory_space<hbm>>, %arg3: memref<33554432xf32, #tpu.memory_space<hbm>>, %arg4: memref<33554432xf32, #tpu.memory_space<hbm>>, %arg5: memref<512xi32, #tpu.memory_space<vmem>>, %arg6: memref<4x128xi32, #tpu.memory_space<vmem>>, %arg7: memref<4x128xf32, #tpu.memory_space<vmem>>, %arg8: memref<!tpu.dma_semaphore, #tpu.memory_space<semaphore_mem>>) attributes {dimension_semantics = [#tpu.dimension_semantics<core_parallel>, #tpu.dimension_semantics<subcore_parallel>], iteration_bounds = array<i64: 2, 16>, scalar_prefetch = 0 : i64, scratch_operands = 4 : i64, tpu.core_type = #tpu.core_type<sc_vector_subcore>, window_params = [{transform_indices = #map}, {transform_indices = #map}, {transform_indices = #map}]} {
    %mul3A = arith.constant 2 : i32
    %mul3A_0 = arith.muli %arg1, %mul3A : i32
    %add3A = arith.addi %mul3A_0, %arg0 : i32
    %mul3A_1 = arith.constant 512 : i32
    %mul3A_2 = arith.muli %add3A, %mul3A_1 : i32
    "tpu.region"() ({
      %run_scoped3A = tpu.sem_alloc : memref<!tpu.dma_semaphore, #tpu.memory_space<semaphore_mem>>
      %dma_start3A_656 = tpu.memref_slice %arg2[%mul3A_2] : memref<16384xi32, #tpu.memory_space<hbm>> -> memref<512xi32, #tpu.memory_space<hbm>>
      %dma_start3A_657 = tpu.memref_slice %arg2[%mul3A_2] : memref<16384xi32, #tpu.memory_space<hbm>> -> memref<512xi32, #tpu.memory_space<hbm>>
      tpu.enqueue_dma source(%dma_start3A_657 : memref<512xi32, #tpu.memory_space<hbm>>) target(%arg5 : memref<512xi32, #tpu.memory_space<vmem>>) target_semaphore(%run_scoped3A : memref<!tpu.dma_semaphore, #tpu.memory_space<semaphore_mem>>)
      %dma_wait3A_658 = tpu.memref_slice %arg2[%mul3A_2] : memref<16384xi32, #tpu.memory_space<hbm>> -> memref<512xi32, #tpu.memory_space<hbm>>
      %dma_wait3A_659 = tpu.memref_slice %arg2[%mul3A_2] : memref<16384xi32, #tpu.memory_space<hbm>> -> memref<512xi32, #tpu.memory_space<hbm>>
      tpu.wait_dma2 semaphore(%run_scoped3A : memref<!tpu.dma_semaphore, #tpu.memory_space<semaphore_mem>>) src(%dma_wait3A_659 : memref<512xi32, #tpu.memory_space<hbm>>) dst(%arg5 : memref<512xi32, #tpu.memory_space<vmem>>)
      tpu.yield
    }) : () -> ()
    %iota3A = tpu.iota {dimensions = array<i32: 0>} : vector<16xi32>
    %broadcast_in_dim3A = arith.constant 1.000000e+00 : f32
    %broadcast_in_dim3A_3 = vector.broadcast %broadcast_in_dim3A : f32 to vector<16xf32>
    %get3A = arith.constant 0 : index
    %get3A_4 = tpu.vector_load %arg5[%get3A] {strides = array<i32>} : memref<512xi32, #tpu.memory_space<vmem>>, vector<16xi32>,
    %add3A_5 = arith.constant 0 : i32
    %add3A_6 = arith.addi %mul3A_2, %add3A_5 : i32
    %add3A_7 = vector.broadcast %add3A_6 : i32 to vector<16xi32>
    %add3A_8 = arith.addi %add3A_7, %iota3A : vector<16xi32>
    %mul3A_9 = arith.constant 2048 : i32
    %mul3A_10 = vector.broadcast %mul3A_9 : i32 to vector<16xi32>
    %mul3A_11 = arith.muli %add3A_8, %mul3A_10 : vector<16xi32>
    %add3A_12 = arith.addi %mul3A_11, %get3A_4 : vector<16xi32>
    %swap3A = arith.constant 0 : i32
    %swap3A_13 = arith.index_cast %swap3A : i32 to index
    %swap3A_14 = arith.constant 0 : index
    %swap3A_15 = tpu.vector_load %arg6[%swap3A_13, %swap3A_14] {strides = array<i32>} : memref<4x128xi32, #tpu.memory_space<vmem>>, vector<16xi32>,
    tpu.vector_store %arg6[%swap3A_13, %swap3A_14], %add3A_12 {strides = array<i32>} : memref<4x128xi32, #tpu.memory_space<vmem>>, vector<16xi32>,
    %swap3A_16 = arith.constant 0 : i32
    %swap3A_17 = arith.index_cast %swap3A_16 : i32 to index
    %swap3A_18 = arith.constant 0 : index
    %swap3A_19 = tpu.vector_load %arg7[%swap3A_17, %swap3A_18] {strides = array<i32>} : memref<4x128xf32, #tpu.memory_space<vmem>>, vector<16xf32>,
    tpu.vector_store %arg7[%swap3A_17, %swap3A_18], %broadcast_in_dim3A_3 {strides = array<i32>} : memref<4x128xf32, #tpu.memory_space<vmem>>, vector<16xf32>,
    %get3A_20 = arith.constant 16 : index
    %get3A_21 = tpu.vector_load %arg5[%get3A_20] {strides = array<i32>} : memref<512xi32, #tpu.memory_space<vmem>>, vector<16xi32>,
    %add3A_22 = arith.constant 16 : i32
    %add3A_23 = arith.addi %mul3A_2, %add3A_22 : i32
    %add3A_24 = vector.broadcast %add3A_23 : i32 to vector<16xi32>
    %add3A_25 = arith.addi %add3A_24, %iota3A : vector<16xi32>
    %mul3A_26 = arith.constant 2048 : i32
    %mul3A_27 = vector.broadcast %mul3A_26 : i32 to vector<16xi32>
    %mul3A_28 = arith.muli %add3A_25, %mul3A_27 : vector<16xi32>
    %add3A_29 = arith.addi %mul3A_28, %get3A_21 : vector<16xi32>
    %swap3A_30 = arith.constant 0 : i32
    %swap3A_31 = arith.index_cast %swap3A_30 : i32 to index
    %swap3A_32 = arith.constant 16 : index
    %swap3A_33 = tpu.vector_load %arg6[%swap3A_31, %swap3A_32] {strides = array<i32>} : memref<4x128xi32, #tpu.memory_space<vmem>>, vector<16xi32>,
    tpu.vector_store %arg6[%swap3A_31, %swap3A_32], %add3A_29 {strides = array<i32>} : memref<4x128xi32, #tpu.memory_space<vmem>>, vector<16xi32>,
    %swap3A_34 = arith.constant 0 : i32
    %swap3A_35 = arith.index_cast %swap3A_34 : i32 to index
    %swap3A_36 = arith.constant 16 : index
    %swap3A_37 = tpu.vector_load %arg7[%swap3A_35, %swap3A_36] {strides = array<i32>} : memref<4x128xf32, #tpu.memory_space<vmem>>, vector<16xf32>,
    tpu.vector_store %arg7[%swap3A_35, %swap3A_36], %broadcast_in_dim3A_3 {strides = array<i32>} : memref<4x128xf32, #tpu.memory_space<vmem>>, vector<16xf32>,
    %get3A_38 = arith.constant 32 : index
    %get3A_39 = tpu.vector_load %arg5[%get3A_38] {strides = array<i32>} : memref<512xi32, #tpu.memory_space<vmem>>, vector<16xi32>,
    %add3A_40 = arith.constant 32 : i32
    %add3A_41 = arith.addi %mul3A_2, %add3A_40 : i32
    %add3A_42 = vector.broadcast %add3A_41 : i32 to vector<16xi32>
    %add3A_43 = arith.addi %add3A_42, %iota3A : vector<16xi32>
    %mul3A_44 = arith.constant 2048 : i32
    %mul3A_45 = vector.broadcast %mul3A_44 : i32 to vector<16xi32>
    %mul3A_46 = arith.muli %add3A_43, %mul3A_45 : vector<16xi32>
    %add3A_47 = arith.addi %mul3A_46, %get3A_39 : vector<16xi32>
    %swap3A_48 = arith.constant 0 : i32
    %swap3A_49 = arith.index_cast %swap3A_48 : i32 to index
    %swap3A_50 = arith.constant 32 : index
    %swap3A_51 = tpu.vector_load %arg6[%swap3A_49, %swap3A_50] {strides = array<i32>} : memref<4x128xi32, #tpu.memory_space<vmem>>, vector<16xi32>,
    tpu.vector_store %arg6[%swap3A_49, %swap3A_50], %add3A_47 {strides = array<i32>} : memref<4x128xi32, #tpu.memory_space<vmem>>, vector<16xi32>,
    %swap3A_52 = arith.constant 0 : i32
    %swap3A_53 = arith.index_cast %swap3A_52 : i32 to index
    %swap3A_54 = arith.constant 32 : index
    %swap3A_55 = tpu.vector_load %arg7[%swap3A_53, %swap3A_54] {strides = array<i32>} : memref<4x128xf32, #tpu.memory_space<vmem>>, vector<16xf32>,
    tpu.vector_store %arg7[%swap3A_53, %swap3A_54], %broadcast_in_dim3A_3 {strides = array<i32>} : memref<4x128xf32, #tpu.memory_space<vmem>>, vector<16xf32>,
    %get3A_56 = arith.constant 48 : index
    %get3A_57 = tpu.vector_load %arg5[%get3A_56] {strides = array<i32>} : memref<512xi32, #tpu.memory_space<vmem>>, vector<16xi32>,
    %add3A_58 = arith.constant 48 : i32
    %add3A_59 = arith.addi %mul3A_2, %add3A_58 : i32
    %add3A_60 = vector.broadcast %add3A_59 : i32 to vector<16xi32>
    %add3A_61 = arith.addi %add3A_60, %iota3A : vector<16xi32>
    %mul3A_62 = arith.constant 2048 : i32
    %mul3A_63 = vector.broadcast %mul3A_62 : i32 to vector<16xi32>
    %mul3A_64 = arith.muli %add3A_61, %mul3A_63 : vector<16xi32>
    %add3A_65 = arith.addi %mul3A_64, %get3A_57 : vector<16xi32>
    %swap3A_66 = arith.constant 0 : i32
    %swap3A_67 = arith.index_cast %swap3A_66 : i32 to index
    %swap3A_68 = arith.constant 48 : index
    %swap3A_69 = tpu.vector_load %arg6[%swap3A_67, %swap3A_68] {strides = array<i32>} : memref<4x128xi32, #tpu.memory_space<vmem>>, vector<16xi32>,
    tpu.vector_store %arg6[%swap3A_67, %swap3A_68], %add3A_65 {strides = array<i32>} : memref<4x128xi32, #tpu.memory_space<vmem>>, vector<16xi32>,
    %swap3A_70 = arith.constant 0 : i32
    %swap3A_71 = arith.index_cast %swap3A_70 : i32 to index
    %swap3A_72 = arith.constant 48 : index
    %swap3A_73 = tpu.vector_load %arg7[%swap3A_71, %swap3A_72] {strides = array<i32>} : memref<4x128xf32, #tpu.memory_space<vmem>>, vector<16xf32>,
    tpu.vector_store %arg7[%swap3A_71, %swap3A_72], %broadcast_in_dim3A_3 {strides = array<i32>} : memref<4x128xf32, #tpu.memory_space<vmem>>, vector<16xf32>,
    %get3A_74 = arith.constant 64 : index
    %get3A_75 = tpu.vector_load %arg5[%get3A_74] {strides = array<i32>} : memref<512xi32, #tpu.memory_space<vmem>>, vector<16xi32>,
    %add3A_76 = arith.constant 64 : i32
    %add3A_77 = arith.addi %mul3A_2, %add3A_76 : i32
    %add3A_78 = vector.broadcast %add3A_77 : i32 to vector<16xi32>
    %add3A_79 = arith.addi %add3A_78, %iota3A : vector<16xi32>
    %mul3A_80 = arith.constant 2048 : i32
    %mul3A_81 = vector.broadcast %mul3A_80 : i32 to vector<16xi32>
    %mul3A_82 = arith.muli %add3A_79, %mul3A_81 : vector<16xi32>
    %add3A_83 = arith.addi %mul3A_82, %get3A_75 : vector<16xi32>
    %swap3A_84 = arith.constant 0 : i32
    %swap3A_85 = arith.index_cast %swap3A_84 : i32 to index
    %swap3A_86 = arith.constant 64 : index
    %swap3A_87 = tpu.vector_load %arg6[%swap3A_85, %swap3A_86] {strides = array<i32>} : memref<4x128xi32, #tpu.memory_space<vmem>>, vector<16xi32>,
    tpu.vector_store %arg6[%swap3A_85, %swap3A_86], %add3A_83 {strides = array<i32>} : memref<4x128xi32, #tpu.memory_space<vmem>>, vector<16xi32>,
    %swap3A_88 = arith.constant 0 : i32
    %swap3A_89 = arith.index_cast %swap3A_88 : i32 to index
    %swap3A_90 = arith.constant 64 : index
    %swap3A_91 = tpu.vector_load %arg7[%swap3A_89, %swap3A_90] {strides = array<i32>} : memref<4x128xf32, #tpu.memory_space<vmem>>, vector<16xf32>,
    tpu.vector_store %arg7[%swap3A_89, %swap3A_90], %broadcast_in_dim3A_3 {strides = array<i32>} : memref<4x128xf32, #tpu.memory_space<vmem>>, vector<16xf32>,
    %get3A_92 = arith.constant 80 : index
    %get3A_93 = tpu.vector_load %arg5[%get3A_92] {strides = array<i32>} : memref<512xi32, #tpu.memory_space<vmem>>, vector<16xi32>,
    %add3A_94 = arith.constant 80 : i32
    %add3A_95 = arith.addi %mul3A_2, %add3A_94 : i32
    %add3A_96 = vector.broadcast %add3A_95 : i32 to vector<16xi32>
    %add3A_97 = arith.addi %add3A_96, %iota3A : vector<16xi32>
    %mul3A_98 = arith.constant 2048 : i32
    %mul3A_99 = vector.broadcast %mul3A_98 : i32 to vector<16xi32>
    %mul3A_100 = arith.muli %add3A_97, %mul3A_99 : vector<16xi32>
    %add3A_101 = arith.addi %mul3A_100, %get3A_93 : vector<16xi32>
    %swap3A_102 = arith.constant 0 : i32
    %swap3A_103 = arith.index_cast %swap3A_102 : i32 to index
    %swap3A_104 = arith.constant 80 : index
    %swap3A_105 = tpu.vector_load %arg6[%swap3A_103, %swap3A_104] {strides = array<i32>} : memref<4x128xi32, #tpu.memory_space<vmem>>, vector<16xi32>,
    tpu.vector_store %arg6[%swap3A_103, %swap3A_104], %add3A_101 {strides = array<i32>} : memref<4x128xi32, #tpu.memory_space<vmem>>, vector<16xi32>,
    %swap3A_106 = arith.constant 0 : i32
    %swap3A_107 = arith.index_cast %swap3A_106 : i32 to index
    %swap3A_108 = arith.constant 80 : index
    %swap3A_109 = tpu.vector_load %arg7[%swap3A_107, %swap3A_108] {strides = array<i32>} : memref<4x128xf32, #tpu.memory_space<vmem>>, vector<16xf32>,
    tpu.vector_store %arg7[%swap3A_107, %swap3A_108], %broadcast_in_dim3A_3 {strides = array<i32>} : memref<4x128xf32, #tpu.memory_space<vmem>>, vector<16xf32>,
    %get3A_110 = arith.constant 96 : index
    %get3A_111 = tpu.vector_load %arg5[%get3A_110] {strides = array<i32>} : memref<512xi32, #tpu.memory_space<vmem>>, vector<16xi32>,
    %add3A_112 = arith.constant 96 : i32
    %add3A_113 = arith.addi %mul3A_2, %add3A_112 : i32
    %add3A_114 = vector.broadcast %add3A_113 : i32 to vector<16xi32>
    %add3A_115 = arith.addi %add3A_114, %iota3A : vector<16xi32>
    %mul3A_116 = arith.constant 2048 : i32
    %mul3A_117 = vector.broadcast %mul3A_116 : i32 to vector<16xi32>
    %mul3A_118 = arith.muli %add3A_115, %mul3A_117 : vector<16xi32>
    %add3A_119 = arith.addi %mul3A_118, %get3A_111 : vector<16xi32>
    %swap3A_120 = arith.constant 0 : i32
    %swap3A_121 = arith.index_cast %swap3A_120 : i32 to index
    %swap3A_122 = arith.constant 96 : index
    %swap3A_123 = tpu.vector_load %arg6[%swap3A_121, %swap3A_122] {strides = array<i32>} : memref<4x128xi32, #tpu.memory_space<vmem>>, vector<16xi32>,
    tpu.vector_store %arg6[%swap3A_121, %swap3A_122], %add3A_119 {strides = array<i32>} : memref<4x128xi32, #tpu.memory_space<vmem>>, vector<16xi32>,
    %swap3A_124 = arith.constant 0 : i32
    %swap3A_125 = arith.index_cast %swap3A_124 : i32 to index
    %swap3A_126 = arith.constant 96 : index
    %swap3A_127 = tpu.vector_load %arg7[%swap3A_125, %swap3A_126] {strides = array<i32>} : memref<4x128xf32, #tpu.memory_space<vmem>>, vector<16xf32>,
    tpu.vector_store %arg7[%swap3A_125, %swap3A_126], %broadcast_in_dim3A_3 {strides = array<i32>} : memref<4x128xf32, #tpu.memory_space<vmem>>, vector<16xf32>,
    %get3A_128 = arith.constant 112 : index
    %get3A_129 = tpu.vector_load %arg5[%get3A_128] {strides = array<i32>} : memref<512xi32, #tpu.memory_space<vmem>>, vector<16xi32>,
    %add3A_130 = arith.constant 112 : i32
    %add3A_131 = arith.addi %mul3A_2, %add3A_130 : i32
    %add3A_132 = vector.broadcast %add3A_131 : i32 to vector<16xi32>
    %add3A_133 = arith.addi %add3A_132, %iota3A : vector<16xi32>
    %mul3A_134 = arith.constant 2048 : i32
    %mul3A_135 = vector.broadcast %mul3A_134 : i32 to vector<16xi32>
    %mul3A_136 = arith.muli %add3A_133, %mul3A_135 : vector<16xi32>
    %add3A_137 = arith.addi %mul3A_136, %get3A_129 : vector<16xi32>
    %swap3A_138 = arith.constant 0 : i32
    %swap3A_139 = arith.index_cast %swap3A_138 : i32 to index
    %swap3A_140 = arith.constant 112 : index
    %swap3A_141 = tpu.vector_load %arg6[%swap3A_139, %swap3A_140] {strides = array<i32>} : memref<4x128xi32, #tpu.memory_space<vmem>>, vector<16xi32>,
    tpu.vector_store %arg6[%swap3A_139, %swap3A_140], %add3A_137 {strides = array<i32>} : memref<4x128xi32, #tpu.memory_space<vmem>>, vector<16xi32>,
    %swap3A_142 = arith.constant 0 : i32
    %swap3A_143 = arith.index_cast %swap3A_142 : i32 to index
    %swap3A_144 = arith.constant 112 : index
    %swap3A_145 = tpu.vector_load %arg7[%swap3A_143, %swap3A_144] {strides = array<i32>} : memref<4x128xf32, #tpu.memory_space<vmem>>, vector<16xf32>,
    tpu.vector_store %arg7[%swap3A_143, %swap3A_144], %broadcast_in_dim3A_3 {strides = array<i32>} : memref<4x128xf32, #tpu.memory_space<vmem>>, vector<16xf32>,
    %get3A_146 = arith.constant 128 : index
    %get3A_147 = tpu.vector_load %arg5[%get3A_146] {strides = array<i32>} : memref<512xi32, #tpu.memory_space<vmem>>, vector<16xi32>,
    %add3A_148 = arith.constant 128 : i32
    %add3A_149 = arith.addi %mul3A_2, %add3A_148 : i32
    %add3A_150 = vector.broadcast %add3A_149 : i32 to vector<16xi32>
    %add3A_151 = arith.addi %add3A_150, %iota3A : vector<16xi32>
    %mul3A_152 = arith.constant 2048 : i32
    %mul3A_153 = vector.broadcast %mul3A_152 : i32 to vector<16xi32>
    %mul3A_154 = arith.muli %add3A_151, %mul3A_153 : vector<16xi32>
    %add3A_155 = arith.addi %mul3A_154, %get3A_147 : vector<16xi32>
    %swap3A_156 = arith.constant 1 : i32
    %swap3A_157 = arith.index_cast %swap3A_156 : i32 to index
    %swap3A_158 = arith.constant 0 : index
    %swap3A_159 = tpu.vector_load %arg6[%swap3A_157, %swap3A_158] {strides = array<i32>} : memref<4x128xi32, #tpu.memory_space<vmem>>, vector<16xi32>,
    tpu.vector_store %arg6[%swap3A_157, %swap3A_158], %add3A_155 {strides = array<i32>} : memref<4x128xi32, #tpu.memory_space<vmem>>, vector<16xi32>,
    %swap3A_160 = arith.constant 1 : i32
    %swap3A_161 = arith.index_cast %swap3A_160 : i32 to index
    %swap3A_162 = arith.constant 0 : index
    %swap3A_163 = tpu.vector_load %arg7[%swap3A_161, %swap3A_162] {strides = array<i32>} : memref<4x128xf32, #tpu.memory_space<vmem>>, vector<16xf32>,
    tpu.vector_store %arg7[%swap3A_161, %swap3A_162], %broadcast_in_dim3A_3 {strides = array<i32>} : memref<4x128xf32, #tpu.memory_space<vmem>>, vector<16xf32>,
    %get3A_164 = arith.constant 144 : index
    %get3A_165 = tpu.vector_load %arg5[%get3A_164] {strides = array<i32>} : memref<512xi32, #tpu.memory_space<vmem>>, vector<16xi32>,
    %add3A_166 = arith.constant 144 : i32
    %add3A_167 = arith.addi %mul3A_2, %add3A_166 : i32
    %add3A_168 = vector.broadcast %add3A_167 : i32 to vector<16xi32>
    %add3A_169 = arith.addi %add3A_168, %iota3A : vector<16xi32>
    %mul3A_170 = arith.constant 2048 : i32
    %mul3A_171 = vector.broadcast %mul3A_170 : i32 to vector<16xi32>
    %mul3A_172 = arith.muli %add3A_169, %mul3A_171 : vector<16xi32>
    %add3A_173 = arith.addi %mul3A_172, %get3A_165 : vector<16xi32>
    %swap3A_174 = arith.constant 1 : i32
    %swap3A_175 = arith.index_cast %swap3A_174 : i32 to index
    %swap3A_176 = arith.constant 16 : index
    %swap3A_177 = tpu.vector_load %arg6[%swap3A_175, %swap3A_176] {strides = array<i32>} : memref<4x128xi32, #tpu.memory_space<vmem>>, vector<16xi32>,
    tpu.vector_store %arg6[%swap3A_175, %swap3A_176], %add3A_173 {strides = array<i32>} : memref<4x128xi32, #tpu.memory_space<vmem>>, vector<16xi32>,
    %swap3A_178 = arith.constant 1 : i32
    %swap3A_179 = arith.index_cast %swap3A_178 : i32 to index
    %swap3A_180 = arith.constant 16 : index
    %swap3A_181 = tpu.vector_load %arg7[%swap3A_179, %swap3A_180] {strides = array<i32>} : memref<4x128xf32, #tpu.memory_space<vmem>>, vector<16xf32>,
    tpu.vector_store %arg7[%swap3A_179, %swap3A_180], %broadcast_in_dim3A_3 {strides = array<i32>} : memref<4x128xf32, #tpu.memory_space<vmem>>, vector<16xf32>,
    %get3A_182 = arith.constant 160 : index
    %get3A_183 = tpu.vector_load %arg5[%get3A_182] {strides = array<i32>} : memref<512xi32, #tpu.memory_space<vmem>>, vector<16xi32>,
    %add3A_184 = arith.constant 160 : i32
    %add3A_185 = arith.addi %mul3A_2, %add3A_184 : i32
    %add3A_186 = vector.broadcast %add3A_185 : i32 to vector<16xi32>
    %add3A_187 = arith.addi %add3A_186, %iota3A : vector<16xi32>
    %mul3A_188 = arith.constant 2048 : i32
    %mul3A_189 = vector.broadcast %mul3A_188 : i32 to vector<16xi32>
    %mul3A_190 = arith.muli %add3A_187, %mul3A_189 : vector<16xi32>
    %add3A_191 = arith.addi %mul3A_190, %get3A_183 : vector<16xi32>
    %swap3A_192 = arith.constant 1 : i32
    %swap3A_193 = arith.index_cast %swap3A_192 : i32 to index
    %swap3A_194 = arith.constant 32 : index
    %swap3A_195 = tpu.vector_load %arg6[%swap3A_193, %swap3A_194] {strides = array<i32>} : memref<4x128xi32, #tpu.memory_space<vmem>>, vector<16xi32>,
    tpu.vector_store %arg6[%swap3A_193, %swap3A_194], %add3A_191 {strides = array<i32>} : memref<4x128xi32, #tpu.memory_space<vmem>>, vector<16xi32>,
    %swap3A_196 = arith.constant 1 : i32
    %swap3A_197 = arith.index_cast %swap3A_196 : i32 to index
    %swap3A_198 = arith.constant 32 : index
    %swap3A_199 = tpu.vector_load %arg7[%swap3A_197, %swap3A_198] {strides = array<i32>} : memref<4x128xf32, #tpu.memory_space<vmem>>, vector<16xf32>,
    tpu.vector_store %arg7[%swap3A_197, %swap3A_198], %broadcast_in_dim3A_3 {strides = array<i32>} : memref<4x128xf32, #tpu.memory_space<vmem>>, vector<16xf32>,
    %get3A_200 = arith.constant 176 : index
    %get3A_201 = tpu.vector_load %arg5[%get3A_200] {strides = array<i32>} : memref<512xi32, #tpu.memory_space<vmem>>, vector<16xi32>,
    %add3A_202 = arith.constant 176 : i32
    %add3A_203 = arith.addi %mul3A_2, %add3A_202 : i32
    %add3A_204 = vector.broadcast %add3A_203 : i32 to vector<16xi32>
    %add3A_205 = arith.addi %add3A_204, %iota3A : vector<16xi32>
    %mul3A_206 = arith.constant 2048 : i32
    %mul3A_207 = vector.broadcast %mul3A_206 : i32 to vector<16xi32>
    %mul3A_208 = arith.muli %add3A_205, %mul3A_207 : vector<16xi32>
    %add3A_209 = arith.addi %mul3A_208, %get3A_201 : vector<16xi32>
    %swap3A_210 = arith.constant 1 : i32
    %swap3A_211 = arith.index_cast %swap3A_210 : i32 to index
    %swap3A_212 = arith.constant 48 : index
    %swap3A_213 = tpu.vector_load %arg6[%swap3A_211, %swap3A_212] {strides = array<i32>} : memref<4x128xi32, #tpu.memory_space<vmem>>, vector<16xi32>,
    tpu.vector_store %arg6[%swap3A_211, %swap3A_212], %add3A_209 {strides = array<i32>} : memref<4x128xi32, #tpu.memory_space<vmem>>, vector<16xi32>,
    %swap3A_214 = arith.constant 1 : i32
    %swap3A_215 = arith.index_cast %swap3A_214 : i32 to index
    %swap3A_216 = arith.constant 48 : index
    %swap3A_217 = tpu.vector_load %arg7[%swap3A_215, %swap3A_216] {strides = array<i32>} : memref<4x128xf32, #tpu.memory_space<vmem>>, vector<16xf32>,
    tpu.vector_store %arg7[%swap3A_215, %swap3A_216], %broadcast_in_dim3A_3 {strides = array<i32>} : memref<4x128xf32, #tpu.memory_space<vmem>>, vector<16xf32>,
    %get3A_218 = arith.constant 192 : index
    %get3A_219 = tpu.vector_load %arg5[%get3A_218] {strides = array<i32>} : memref<512xi32, #tpu.memory_space<vmem>>, vector<16xi32>,
    %add3A_220 = arith.constant 192 : i32
    %add3A_221 = arith.addi %mul3A_2, %add3A_220 : i32
    %add3A_222 = vector.broadcast %add3A_221 : i32 to vector<16xi32>
    %add3A_223 = arith.addi %add3A_222, %iota3A : vector<16xi32>
    %mul3A_224 = arith.constant 2048 : i32
    %mul3A_225 = vector.broadcast %mul3A_224 : i32 to vector<16xi32>
    %mul3A_226 = arith.muli %add3A_223, %mul3A_225 : vector<16xi32>
    %add3A_227 = arith.addi %mul3A_226, %get3A_219 : vector<16xi32>
    %swap3A_228 = arith.constant 1 : i32
    %swap3A_229 = arith.index_cast %swap3A_228 : i32 to index
    %swap3A_230 = arith.constant 64 : index
    %swap3A_231 = tpu.vector_load %arg6[%swap3A_229, %swap3A_230] {strides = array<i32>} : memref<4x128xi32, #tpu.memory_space<vmem>>, vector<16xi32>,
    tpu.vector_store %arg6[%swap3A_229, %swap3A_230], %add3A_227 {strides = array<i32>} : memref<4x128xi32, #tpu.memory_space<vmem>>, vector<16xi32>,
    %swap3A_232 = arith.constant 1 : i32
    %swap3A_233 = arith.index_cast %swap3A_232 : i32 to index
    %swap3A_234 = arith.constant 64 : index
    %swap3A_235 = tpu.vector_load %arg7[%swap3A_233, %swap3A_234] {strides = array<i32>} : memref<4x128xf32, #tpu.memory_space<vmem>>, vector<16xf32>,
    tpu.vector_store %arg7[%swap3A_233, %swap3A_234], %broadcast_in_dim3A_3 {strides = array<i32>} : memref<4x128xf32, #tpu.memory_space<vmem>>, vector<16xf32>,
    %get3A_236 = arith.constant 208 : index
    %get3A_237 = tpu.vector_load %arg5[%get3A_236] {strides = array<i32>} : memref<512xi32, #tpu.memory_space<vmem>>, vector<16xi32>,
    %add3A_238 = arith.constant 208 : i32
    %add3A_239 = arith.addi %mul3A_2, %add3A_238 : i32
    %add3A_240 = vector.broadcast %add3A_239 : i32 to vector<16xi32>
    %add3A_241 = arith.addi %add3A_240, %iota3A : vector<16xi32>
    %mul3A_242 = arith.constant 2048 : i32
    %mul3A_243 = vector.broadcast %mul3A_242 : i32 to vector<16xi32>
    %mul3A_244 = arith.muli %add3A_241, %mul3A_243 : vector<16xi32>
    %add3A_245 = arith.addi %mul3A_244, %get3A_237 : vector<16xi32>
    %swap3A_246 = arith.constant 1 : i32
    %swap3A_247 = arith.index_cast %swap3A_246 : i32 to index
    %swap3A_248 = arith.constant 80 : index
    %swap3A_249 = tpu.vector_load %arg6[%swap3A_247, %swap3A_248] {strides = array<i32>} : memref<4x128xi32, #tpu.memory_space<vmem>>, vector<16xi32>,
    tpu.vector_store %arg6[%swap3A_247, %swap3A_248], %add3A_245 {strides = array<i32>} : memref<4x128xi32, #tpu.memory_space<vmem>>, vector<16xi32>,
    %swap3A_250 = arith.constant 1 : i32
    %swap3A_251 = arith.index_cast %swap3A_250 : i32 to index
    %swap3A_252 = arith.constant 80 : index
    %swap3A_253 = tpu.vector_load %arg7[%swap3A_251, %swap3A_252] {strides = array<i32>} : memref<4x128xf32, #tpu.memory_space<vmem>>, vector<16xf32>,
    tpu.vector_store %arg7[%swap3A_251, %swap3A_252], %broadcast_in_dim3A_3 {strides = array<i32>} : memref<4x128xf32, #tpu.memory_space<vmem>>, vector<16xf32>,
    %get3A_254 = arith.constant 224 : index
    %get3A_255 = tpu.vector_load %arg5[%get3A_254] {strides = array<i32>} : memref<512xi32, #tpu.memory_space<vmem>>, vector<16xi32>,
    %add3A_256 = arith.constant 224 : i32
    %add3A_257 = arith.addi %mul3A_2, %add3A_256 : i32
    %add3A_258 = vector.broadcast %add3A_257 : i32 to vector<16xi32>
    %add3A_259 = arith.addi %add3A_258, %iota3A : vector<16xi32>
    %mul3A_260 = arith.constant 2048 : i32
    %mul3A_261 = vector.broadcast %mul3A_260 : i32 to vector<16xi32>
    %mul3A_262 = arith.muli %add3A_259, %mul3A_261 : vector<16xi32>
    %add3A_263 = arith.addi %mul3A_262, %get3A_255 : vector<16xi32>
    %swap3A_264 = arith.constant 1 : i32
    %swap3A_265 = arith.index_cast %swap3A_264 : i32 to index
    %swap3A_266 = arith.constant 96 : index
    %swap3A_267 = tpu.vector_load %arg6[%swap3A_265, %swap3A_266] {strides = array<i32>} : memref<4x128xi32, #tpu.memory_space<vmem>>, vector<16xi32>,
    tpu.vector_store %arg6[%swap3A_265, %swap3A_266], %add3A_263 {strides = array<i32>} : memref<4x128xi32, #tpu.memory_space<vmem>>, vector<16xi32>,
    %swap3A_268 = arith.constant 1 : i32
    %swap3A_269 = arith.index_cast %swap3A_268 : i32 to index
    %swap3A_270 = arith.constant 96 : index
    %swap3A_271 = tpu.vector_load %arg7[%swap3A_269, %swap3A_270] {strides = array<i32>} : memref<4x128xf32, #tpu.memory_space<vmem>>, vector<16xf32>,
    tpu.vector_store %arg7[%swap3A_269, %swap3A_270], %broadcast_in_dim3A_3 {strides = array<i32>} : memref<4x128xf32, #tpu.memory_space<vmem>>, vector<16xf32>,
    %get3A_272 = arith.constant 240 : index
    %get3A_273 = tpu.vector_load %arg5[%get3A_272] {strides = array<i32>} : memref<512xi32, #tpu.memory_space<vmem>>, vector<16xi32>,
    %add3A_274 = arith.constant 240 : i32
    %add3A_275 = arith.addi %mul3A_2, %add3A_274 : i32
    %add3A_276 = vector.broadcast %add3A_275 : i32 to vector<16xi32>
    %add3A_277 = arith.addi %add3A_276, %iota3A : vector<16xi32>
    %mul3A_278 = arith.constant 2048 : i32
    %mul3A_279 = vector.broadcast %mul3A_278 : i32 to vector<16xi32>
    %mul3A_280 = arith.muli %add3A_277, %mul3A_279 : vector<16xi32>
    %add3A_281 = arith.addi %mul3A_280, %get3A_273 : vector<16xi32>
    %swap3A_282 = arith.constant 1 : i32
    %swap3A_283 = arith.index_cast %swap3A_282 : i32 to index
    %swap3A_284 = arith.constant 112 : index
    %swap3A_285 = tpu.vector_load %arg6[%swap3A_283, %swap3A_284] {strides = array<i32>} : memref<4x128xi32, #tpu.memory_space<vmem>>, vector<16xi32>,
    tpu.vector_store %arg6[%swap3A_283, %swap3A_284], %add3A_281 {strides = array<i32>} : memref<4x128xi32, #tpu.memory_space<vmem>>, vector<16xi32>,
    %swap3A_286 = arith.constant 1 : i32
    %swap3A_287 = arith.index_cast %swap3A_286 : i32 to index
    %swap3A_288 = arith.constant 112 : index
    %swap3A_289 = tpu.vector_load %arg7[%swap3A_287, %swap3A_288] {strides = array<i32>} : memref<4x128xf32, #tpu.memory_space<vmem>>, vector<16xf32>,
    tpu.vector_store %arg7[%swap3A_287, %swap3A_288], %broadcast_in_dim3A_3 {strides = array<i32>} : memref<4x128xf32, #tpu.memory_space<vmem>>, vector<16xf32>,
    %get3A_290 = arith.constant 256 : index
    %get3A_291 = tpu.vector_load %arg5[%get3A_290] {strides = array<i32>} : memref<512xi32, #tpu.memory_space<vmem>>, vector<16xi32>,
    %add3A_292 = arith.constant 256 : i32
    %add3A_293 = arith.addi %mul3A_2, %add3A_292 : i32
    %add3A_294 = vector.broadcast %add3A_293 : i32 to vector<16xi32>
    %add3A_295 = arith.addi %add3A_294, %iota3A : vector<16xi32>
    %mul3A_296 = arith.constant 2048 : i32
    %mul3A_297 = vector.broadcast %mul3A_296 : i32 to vector<16xi32>
    %mul3A_298 = arith.muli %add3A_295, %mul3A_297 : vector<16xi32>
    %add3A_299 = arith.addi %mul3A_298, %get3A_291 : vector<16xi32>
    %swap3A_300 = arith.constant 2 : i32
    %swap3A_301 = arith.index_cast %swap3A_300 : i32 to index
    %swap3A_302 = arith.constant 0 : index
    %swap3A_303 = tpu.vector_load %arg6[%swap3A_301, %swap3A_302] {strides = array<i32>} : memref<4x128xi32, #tpu.memory_space<vmem>>, vector<16xi32>,
    tpu.vector_store %arg6[%swap3A_301, %swap3A_302], %add3A_299 {strides = array<i32>} : memref<4x128xi32, #tpu.memory_space<vmem>>, vector<16xi32>,
    %swap3A_304 = arith.constant 2 : i32
    %swap3A_305 = arith.index_cast %swap3A_304 : i32 to index
    %swap3A_306 = arith.constant 0 : index
    %swap3A_307 = tpu.vector_load %arg7[%swap3A_305, %swap3A_306] {strides = array<i32>} : memref<4x128xf32, #tpu.memory_space<vmem>>, vector<16xf32>,
    tpu.vector_store %arg7[%swap3A_305, %swap3A_306], %broadcast_in_dim3A_3 {strides = array<i32>} : memref<4x128xf32, #tpu.memory_space<vmem>>, vector<16xf32>,
    %get3A_308 = arith.constant 272 : index
    %get3A_309 = tpu.vector_load %arg5[%get3A_308] {strides = array<i32>} : memref<512xi32, #tpu.memory_space<vmem>>, vector<16xi32>,
    %add3A_310 = arith.constant 272 : i32
    %add3A_311 = arith.addi %mul3A_2, %add3A_310 : i32
    %add3A_312 = vector.broadcast %add3A_311 : i32 to vector<16xi32>
    %add3A_313 = arith.addi %add3A_312, %iota3A : vector<16xi32>
    %mul3A_314 = arith.constant 2048 : i32
    %mul3A_315 = vector.broadcast %mul3A_314 : i32 to vector<16xi32>
    %mul3A_316 = arith.muli %add3A_313, %mul3A_315 : vector<16xi32>
    %add3A_317 = arith.addi %mul3A_316, %get3A_309 : vector<16xi32>
    %swap3A_318 = arith.constant 2 : i32
    %swap3A_319 = arith.index_cast %swap3A_318 : i32 to index
    %swap3A_320 = arith.constant 16 : index
    %swap3A_321 = tpu.vector_load %arg6[%swap3A_319, %swap3A_320] {strides = array<i32>} : memref<4x128xi32, #tpu.memory_space<vmem>>, vector<16xi32>,
    tpu.vector_store %arg6[%swap3A_319, %swap3A_320], %add3A_317 {strides = array<i32>} : memref<4x128xi32, #tpu.memory_space<vmem>>, vector<16xi32>,
    %swap3A_322 = arith.constant 2 : i32
    %swap3A_323 = arith.index_cast %swap3A_322 : i32 to index
    %swap3A_324 = arith.constant 16 : index
    %swap3A_325 = tpu.vector_load %arg7[%swap3A_323, %swap3A_324] {strides = array<i32>} : memref<4x128xf32, #tpu.memory_space<vmem>>, vector<16xf32>,
    tpu.vector_store %arg7[%swap3A_323, %swap3A_324], %broadcast_in_dim3A_3 {strides = array<i32>} : memref<4x128xf32, #tpu.memory_space<vmem>>, vector<16xf32>,
    %get3A_326 = arith.constant 288 : index
    %get3A_327 = tpu.vector_load %arg5[%get3A_326] {strides = array<i32>} : memref<512xi32, #tpu.memory_space<vmem>>, vector<16xi32>,
    %add3A_328 = arith.constant 288 : i32
    %add3A_329 = arith.addi %mul3A_2, %add3A_328 : i32
    %add3A_330 = vector.broadcast %add3A_329 : i32 to vector<16xi32>
    %add3A_331 = arith.addi %add3A_330, %iota3A : vector<16xi32>
    %mul3A_332 = arith.constant 2048 : i32
    %mul3A_333 = vector.broadcast %mul3A_332 : i32 to vector<16xi32>
    %mul3A_334 = arith.muli %add3A_331, %mul3A_333 : vector<16xi32>
    %add3A_335 = arith.addi %mul3A_334, %get3A_327 : vector<16xi32>
    %swap3A_336 = arith.constant 2 : i32
    %swap3A_337 = arith.index_cast %swap3A_336 : i32 to index
    %swap3A_338 = arith.constant 32 : index
    %swap3A_339 = tpu.vector_load %arg6[%swap3A_337, %swap3A_338] {strides = array<i32>} : memref<4x128xi32, #tpu.memory_space<vmem>>, vector<16xi32>,
    tpu.vector_store %arg6[%swap3A_337, %swap3A_338], %add3A_335 {strides = array<i32>} : memref<4x128xi32, #tpu.memory_space<vmem>>, vector<16xi32>,
    %swap3A_340 = arith.constant 2 : i32
    %swap3A_341 = arith.index_cast %swap3A_340 : i32 to index
    %swap3A_342 = arith.constant 32 : index
    %swap3A_343 = tpu.vector_load %arg7[%swap3A_341, %swap3A_342] {strides = array<i32>} : memref<4x128xf32, #tpu.memory_space<vmem>>, vector<16xf32>,
    tpu.vector_store %arg7[%swap3A_341, %swap3A_342], %broadcast_in_dim3A_3 {strides = array<i32>} : memref<4x128xf32, #tpu.memory_space<vmem>>, vector<16xf32>,
    %get3A_344 = arith.constant 304 : index
    %get3A_345 = tpu.vector_load %arg5[%get3A_344] {strides = array<i32>} : memref<512xi32, #tpu.memory_space<vmem>>, vector<16xi32>,
    %add3A_346 = arith.constant 304 : i32
    %add3A_347 = arith.addi %mul3A_2, %add3A_346 : i32
    %add3A_348 = vector.broadcast %add3A_347 : i32 to vector<16xi32>
    %add3A_349 = arith.addi %add3A_348, %iota3A : vector<16xi32>
    %mul3A_350 = arith.constant 2048 : i32
    %mul3A_351 = vector.broadcast %mul3A_350 : i32 to vector<16xi32>
    %mul3A_352 = arith.muli %add3A_349, %mul3A_351 : vector<16xi32>
    %add3A_353 = arith.addi %mul3A_352, %get3A_345 : vector<16xi32>
    %swap3A_354 = arith.constant 2 : i32
    %swap3A_355 = arith.index_cast %swap3A_354 : i32 to index
    %swap3A_356 = arith.constant 48 : index
    %swap3A_357 = tpu.vector_load %arg6[%swap3A_355, %swap3A_356] {strides = array<i32>} : memref<4x128xi32, #tpu.memory_space<vmem>>, vector<16xi32>,
    tpu.vector_store %arg6[%swap3A_355, %swap3A_356], %add3A_353 {strides = array<i32>} : memref<4x128xi32, #tpu.memory_space<vmem>>, vector<16xi32>,
    %swap3A_358 = arith.constant 2 : i32
    %swap3A_359 = arith.index_cast %swap3A_358 : i32 to index
    %swap3A_360 = arith.constant 48 : index
    %swap3A_361 = tpu.vector_load %arg7[%swap3A_359, %swap3A_360] {strides = array<i32>} : memref<4x128xf32, #tpu.memory_space<vmem>>, vector<16xf32>,
    tpu.vector_store %arg7[%swap3A_359, %swap3A_360], %broadcast_in_dim3A_3 {strides = array<i32>} : memref<4x128xf32, #tpu.memory_space<vmem>>, vector<16xf32>,
    %get3A_362 = arith.constant 320 : index
    %get3A_363 = tpu.vector_load %arg5[%get3A_362] {strides = array<i32>} : memref<512xi32, #tpu.memory_space<vmem>>, vector<16xi32>,
    %add3A_364 = arith.constant 320 : i32
    %add3A_365 = arith.addi %mul3A_2, %add3A_364 : i32
    %add3A_366 = vector.broadcast %add3A_365 : i32 to vector<16xi32>
    %add3A_367 = arith.addi %add3A_366, %iota3A : vector<16xi32>
    %mul3A_368 = arith.constant 2048 : i32
    %mul3A_369 = vector.broadcast %mul3A_368 : i32 to vector<16xi32>
    %mul3A_370 = arith.muli %add3A_367, %mul3A_369 : vector<16xi32>
    %add3A_371 = arith.addi %mul3A_370, %get3A_363 : vector<16xi32>
    %swap3A_372 = arith.constant 2 : i32
    %swap3A_373 = arith.index_cast %swap3A_372 : i32 to index
    %swap3A_374 = arith.constant 64 : index
    %swap3A_375 = tpu.vector_load %arg6[%swap3A_373, %swap3A_374] {strides = array<i32>} : memref<4x128xi32, #tpu.memory_space<vmem>>, vector<16xi32>,
    tpu.vector_store %arg6[%swap3A_373, %swap3A_374], %add3A_371 {strides = array<i32>} : memref<4x128xi32, #tpu.memory_space<vmem>>, vector<16xi32>,
    %swap3A_376 = arith.constant 2 : i32
    %swap3A_377 = arith.index_cast %swap3A_376 : i32 to index
    %swap3A_378 = arith.constant 64 : index
    %swap3A_379 = tpu.vector_load %arg7[%swap3A_377, %swap3A_378] {strides = array<i32>} : memref<4x128xf32, #tpu.memory_space<vmem>>, vector<16xf32>,
    tpu.vector_store %arg7[%swap3A_377, %swap3A_378], %broadcast_in_dim3A_3 {strides = array<i32>} : memref<4x128xf32, #tpu.memory_space<vmem>>, vector<16xf32>,
    %get3A_380 = arith.constant 336 : index
    %get3A_381 = tpu.vector_load %arg5[%get3A_380] {strides = array<i32>} : memref<512xi32, #tpu.memory_space<vmem>>, vector<16xi32>,
    %add3A_382 = arith.constant 336 : i32
    %add3A_383 = arith.addi %mul3A_2, %add3A_382 : i32
    %add3A_384 = vector.broadcast %add3A_383 : i32 to vector<16xi32>
    %add3A_385 = arith.addi %add3A_384, %iota3A : vector<16xi32>
    %mul3A_386 = arith.constant 2048 : i32
    %mul3A_387 = vector.broadcast %mul3A_386 : i32 to vector<16xi32>
    %mul3A_388 = arith.muli %add3A_385, %mul3A_387 : vector<16xi32>
    %add3A_389 = arith.addi %mul3A_388, %get3A_381 : vector<16xi32>
    %swap3A_390 = arith.constant 2 : i32
    %swap3A_391 = arith.index_cast %swap3A_390 : i32 to index
    %swap3A_392 = arith.constant 80 : index
    %swap3A_393 = tpu.vector_load %arg6[%swap3A_391, %swap3A_392] {strides = array<i32>} : memref<4x128xi32, #tpu.memory_space<vmem>>, vector<16xi32>,
    tpu.vector_store %arg6[%swap3A_391, %swap3A_392], %add3A_389 {strides = array<i32>} : memref<4x128xi32, #tpu.memory_space<vmem>>, vector<16xi32>,
    %swap3A_394 = arith.constant 2 : i32
    %swap3A_395 = arith.index_cast %swap3A_394 : i32 to index
    %swap3A_396 = arith.constant 80 : index
    %swap3A_397 = tpu.vector_load %arg7[%swap3A_395, %swap3A_396] {strides = array<i32>} : memref<4x128xf32, #tpu.memory_space<vmem>>, vector<16xf32>,
    tpu.vector_store %arg7[%swap3A_395, %swap3A_396], %broadcast_in_dim3A_3 {strides = array<i32>} : memref<4x128xf32, #tpu.memory_space<vmem>>, vector<16xf32>,
    %get3A_398 = arith.constant 352 : index
    %get3A_399 = tpu.vector_load %arg5[%get3A_398] {strides = array<i32>} : memref<512xi32, #tpu.memory_space<vmem>>, vector<16xi32>,
    %add3A_400 = arith.constant 352 : i32
    %add3A_401 = arith.addi %mul3A_2, %add3A_400 : i32
    %add3A_402 = vector.broadcast %add3A_401 : i32 to vector<16xi32>
    %add3A_403 = arith.addi %add3A_402, %iota3A : vector<16xi32>
    %mul3A_404 = arith.constant 2048 : i32
    %mul3A_405 = vector.broadcast %mul3A_404 : i32 to vector<16xi32>
    %mul3A_406 = arith.muli %add3A_403, %mul3A_405 : vector<16xi32>
    %add3A_407 = arith.addi %mul3A_406, %get3A_399 : vector<16xi32>
    %swap3A_408 = arith.constant 2 : i32
    %swap3A_409 = arith.index_cast %swap3A_408 : i32 to index
    %swap3A_410 = arith.constant 96 : index
    %swap3A_411 = tpu.vector_load %arg6[%swap3A_409, %swap3A_410] {strides = array<i32>} : memref<4x128xi32, #tpu.memory_space<vmem>>, vector<16xi32>,
    tpu.vector_store %arg6[%swap3A_409, %swap3A_410], %add3A_407 {strides = array<i32>} : memref<4x128xi32, #tpu.memory_space<vmem>>, vector<16xi32>,
    %swap3A_412 = arith.constant 2 : i32
    %swap3A_413 = arith.index_cast %swap3A_412 : i32 to index
    %swap3A_414 = arith.constant 96 : index
    %swap3A_415 = tpu.vector_load %arg7[%swap3A_413, %swap3A_414] {strides = array<i32>} : memref<4x128xf32, #tpu.memory_space<vmem>>, vector<16xf32>,
    tpu.vector_store %arg7[%swap3A_413, %swap3A_414], %broadcast_in_dim3A_3 {strides = array<i32>} : memref<4x128xf32, #tpu.memory_space<vmem>>, vector<16xf32>,
    %get3A_416 = arith.constant 368 : index
    %get3A_417 = tpu.vector_load %arg5[%get3A_416] {strides = array<i32>} : memref<512xi32, #tpu.memory_space<vmem>>, vector<16xi32>,
    %add3A_418 = arith.constant 368 : i32
    %add3A_419 = arith.addi %mul3A_2, %add3A_418 : i32
    %add3A_420 = vector.broadcast %add3A_419 : i32 to vector<16xi32>
    %add3A_421 = arith.addi %add3A_420, %iota3A : vector<16xi32>
    %mul3A_422 = arith.constant 2048 : i32
    %mul3A_423 = vector.broadcast %mul3A_422 : i32 to vector<16xi32>
    %mul3A_424 = arith.muli %add3A_421, %mul3A_423 : vector<16xi32>
    %add3A_425 = arith.addi %mul3A_424, %get3A_417 : vector<16xi32>
    %swap3A_426 = arith.constant 2 : i32
    %swap3A_427 = arith.index_cast %swap3A_426 : i32 to index
    %swap3A_428 = arith.constant 112 : index
    %swap3A_429 = tpu.vector_load %arg6[%swap3A_427, %swap3A_428] {strides = array<i32>} : memref<4x128xi32, #tpu.memory_space<vmem>>, vector<16xi32>,
    tpu.vector_store %arg6[%swap3A_427, %swap3A_428], %add3A_425 {strides = array<i32>} : memref<4x128xi32, #tpu.memory_space<vmem>>, vector<16xi32>,
    %swap3A_430 = arith.constant 2 : i32
    %swap3A_431 = arith.index_cast %swap3A_430 : i32 to index
    %swap3A_432 = arith.constant 112 : index
    %swap3A_433 = tpu.vector_load %arg7[%swap3A_431, %swap3A_432] {strides = array<i32>} : memref<4x128xf32, #tpu.memory_space<vmem>>, vector<16xf32>,
    tpu.vector_store %arg7[%swap3A_431, %swap3A_432], %broadcast_in_dim3A_3 {strides = array<i32>} : memref<4x128xf32, #tpu.memory_space<vmem>>, vector<16xf32>,
    %get3A_434 = arith.constant 384 : index
    %get3A_435 = tpu.vector_load %arg5[%get3A_434] {strides = array<i32>} : memref<512xi32, #tpu.memory_space<vmem>>, vector<16xi32>,
    %add3A_436 = arith.constant 384 : i32
    %add3A_437 = arith.addi %mul3A_2, %add3A_436 : i32
    %add3A_438 = vector.broadcast %add3A_437 : i32 to vector<16xi32>
    %add3A_439 = arith.addi %add3A_438, %iota3A : vector<16xi32>
    %mul3A_440 = arith.constant 2048 : i32
    %mul3A_441 = vector.broadcast %mul3A_440 : i32 to vector<16xi32>
    %mul3A_442 = arith.muli %add3A_439, %mul3A_441 : vector<16xi32>
    %add3A_443 = arith.addi %mul3A_442, %get3A_435 : vector<16xi32>
    %swap3A_444 = arith.constant 3 : i32
    %swap3A_445 = arith.index_cast %swap3A_444 : i32 to index
    %swap3A_446 = arith.constant 0 : index
    %swap3A_447 = tpu.vector_load %arg6[%swap3A_445, %swap3A_446] {strides = array<i32>} : memref<4x128xi32, #tpu.memory_space<vmem>>, vector<16xi32>,
    tpu.vector_store %arg6[%swap3A_445, %swap3A_446], %add3A_443 {strides = array<i32>} : memref<4x128xi32, #tpu.memory_space<vmem>>, vector<16xi32>,
    %swap3A_448 = arith.constant 3 : i32
    %swap3A_449 = arith.index_cast %swap3A_448 : i32 to index
    %swap3A_450 = arith.constant 0 : index
    %swap3A_451 = tpu.vector_load %arg7[%swap3A_449, %swap3A_450] {strides = array<i32>} : memref<4x128xf32, #tpu.memory_space<vmem>>, vector<16xf32>,
    tpu.vector_store %arg7[%swap3A_449, %swap3A_450], %broadcast_in_dim3A_3 {strides = array<i32>} : memref<4x128xf32, #tpu.memory_space<vmem>>, vector<16xf32>,
    %get3A_452 = arith.constant 400 : index
    %get3A_453 = tpu.vector_load %arg5[%get3A_452] {strides = array<i32>} : memref<512xi32, #tpu.memory_space<vmem>>, vector<16xi32>,
    %add3A_454 = arith.constant 400 : i32
    %add3A_455 = arith.addi %mul3A_2, %add3A_454 : i32
    %add3A_456 = vector.broadcast %add3A_455 : i32 to vector<16xi32>
    %add3A_457 = arith.addi %add3A_456, %iota3A : vector<16xi32>
    %mul3A_458 = arith.constant 2048 : i32
    %mul3A_459 = vector.broadcast %mul3A_458 : i32 to vector<16xi32>
    %mul3A_460 = arith.muli %add3A_457, %mul3A_459 : vector<16xi32>
    %add3A_461 = arith.addi %mul3A_460, %get3A_453 : vector<16xi32>
    %swap3A_462 = arith.constant 3 : i32
    %swap3A_463 = arith.index_cast %swap3A_462 : i32 to index
    %swap3A_464 = arith.constant 16 : index
    %swap3A_465 = tpu.vector_load %arg6[%swap3A_463, %swap3A_464] {strides = array<i32>} : memref<4x128xi32, #tpu.memory_space<vmem>>, vector<16xi32>,
    tpu.vector_store %arg6[%swap3A_463, %swap3A_464], %add3A_461 {strides = array<i32>} : memref<4x128xi32, #tpu.memory_space<vmem>>, vector<16xi32>,
    %swap3A_466 = arith.constant 3 : i32
    %swap3A_467 = arith.index_cast %swap3A_466 : i32 to index
    %swap3A_468 = arith.constant 16 : index
    %swap3A_469 = tpu.vector_load %arg7[%swap3A_467, %swap3A_468] {strides = array<i32>} : memref<4x128xf32, #tpu.memory_space<vmem>>, vector<16xf32>,
    tpu.vector_store %arg7[%swap3A_467, %swap3A_468], %broadcast_in_dim3A_3 {strides = array<i32>} : memref<4x128xf32, #tpu.memory_space<vmem>>, vector<16xf32>,
    %get3A_470 = arith.constant 416 : index
    %get3A_471 = tpu.vector_load %arg5[%get3A_470] {strides = array<i32>} : memref<512xi32, #tpu.memory_space<vmem>>, vector<16xi32>,
    %add3A_472 = arith.constant 416 : i32
    %add3A_473 = arith.addi %mul3A_2, %add3A_472 : i32
    %add3A_474 = vector.broadcast %add3A_473 : i32 to vector<16xi32>
    %add3A_475 = arith.addi %add3A_474, %iota3A : vector<16xi32>
    %mul3A_476 = arith.constant 2048 : i32
    %mul3A_477 = vector.broadcast %mul3A_476 : i32 to vector<16xi32>
    %mul3A_478 = arith.muli %add3A_475, %mul3A_477 : vector<16xi32>
    %add3A_479 = arith.addi %mul3A_478, %get3A_471 : vector<16xi32>
    %swap3A_480 = arith.constant 3 : i32
    %swap3A_481 = arith.index_cast %swap3A_480 : i32 to index
    %swap3A_482 = arith.constant 32 : index
    %swap3A_483 = tpu.vector_load %arg6[%swap3A_481, %swap3A_482] {strides = array<i32>} : memref<4x128xi32, #tpu.memory_space<vmem>>, vector<16xi32>,
    tpu.vector_store %arg6[%swap3A_481, %swap3A_482], %add3A_479 {strides = array<i32>} : memref<4x128xi32, #tpu.memory_space<vmem>>, vector<16xi32>,
    %swap3A_484 = arith.constant 3 : i32
    %swap3A_485 = arith.index_cast %swap3A_484 : i32 to index
    %swap3A_486 = arith.constant 32 : index
    %swap3A_487 = tpu.vector_load %arg7[%swap3A_485, %swap3A_486] {strides = array<i32>} : memref<4x128xf32, #tpu.memory_space<vmem>>, vector<16xf32>,
    tpu.vector_store %arg7[%swap3A_485, %swap3A_486], %broadcast_in_dim3A_3 {strides = array<i32>} : memref<4x128xf32, #tpu.memory_space<vmem>>, vector<16xf32>,
    %get3A_488 = arith.constant 432 : index
    %get3A_489 = tpu.vector_load %arg5[%get3A_488] {strides = array<i32>} : memref<512xi32, #tpu.memory_space<vmem>>, vector<16xi32>,
    %add3A_490 = arith.constant 432 : i32
    %add3A_491 = arith.addi %mul3A_2, %add3A_490 : i32
    %add3A_492 = vector.broadcast %add3A_491 : i32 to vector<16xi32>
    %add3A_493 = arith.addi %add3A_492, %iota3A : vector<16xi32>
    %mul3A_494 = arith.constant 2048 : i32
    %mul3A_495 = vector.broadcast %mul3A_494 : i32 to vector<16xi32>
    %mul3A_496 = arith.muli %add3A_493, %mul3A_495 : vector<16xi32>
    %add3A_497 = arith.addi %mul3A_496, %get3A_489 : vector<16xi32>
    %swap3A_498 = arith.constant 3 : i32
    %swap3A_499 = arith.index_cast %swap3A_498 : i32 to index
    %swap3A_500 = arith.constant 48 : index
    %swap3A_501 = tpu.vector_load %arg6[%swap3A_499, %swap3A_500] {strides = array<i32>} : memref<4x128xi32, #tpu.memory_space<vmem>>, vector<16xi32>,
    tpu.vector_store %arg6[%swap3A_499, %swap3A_500], %add3A_497 {strides = array<i32>} : memref<4x128xi32, #tpu.memory_space<vmem>>, vector<16xi32>,
    %swap3A_502 = arith.constant 3 : i32
    %swap3A_503 = arith.index_cast %swap3A_502 : i32 to index
    %swap3A_504 = arith.constant 48 : index
    %swap3A_505 = tpu.vector_load %arg7[%swap3A_503, %swap3A_504] {strides = array<i32>} : memref<4x128xf32, #tpu.memory_space<vmem>>, vector<16xf32>,
    tpu.vector_store %arg7[%swap3A_503, %swap3A_504], %broadcast_in_dim3A_3 {strides = array<i32>} : memref<4x128xf32, #tpu.memory_space<vmem>>, vector<16xf32>,
    %get3A_506 = arith.constant 448 : index
    %get3A_507 = tpu.vector_load %arg5[%get3A_506] {strides = array<i32>} : memref<512xi32, #tpu.memory_space<vmem>>, vector<16xi32>,
    %add3A_508 = arith.constant 448 : i32
    %add3A_509 = arith.addi %mul3A_2, %add3A_508 : i32
    %add3A_510 = vector.broadcast %add3A_509 : i32 to vector<16xi32>
    %add3A_511 = arith.addi %add3A_510, %iota3A : vector<16xi32>
    %mul3A_512 = arith.constant 2048 : i32
    %mul3A_513 = vector.broadcast %mul3A_512 : i32 to vector<16xi32>
    %mul3A_514 = arith.muli %add3A_511, %mul3A_513 : vector<16xi32>
    %add3A_515 = arith.addi %mul3A_514, %get3A_507 : vector<16xi32>
    %swap3A_516 = arith.constant 3 : i32
    %swap3A_517 = arith.index_cast %swap3A_516 : i32 to index
    %swap3A_518 = arith.constant 64 : index
    %swap3A_519 = tpu.vector_load %arg6[%swap3A_517, %swap3A_518] {strides = array<i32>} : memref<4x128xi32, #tpu.memory_space<vmem>>, vector<16xi32>,
    tpu.vector_store %arg6[%swap3A_517, %swap3A_518], %add3A_515 {strides = array<i32>} : memref<4x128xi32, #tpu.memory_space<vmem>>, vector<16xi32>,
    %swap3A_520 = arith.constant 3 : i32
    %swap3A_521 = arith.index_cast %swap3A_520 : i32 to index
    %swap3A_522 = arith.constant 64 : index
    %swap3A_523 = tpu.vector_load %arg7[%swap3A_521, %swap3A_522] {strides = array<i32>} : memref<4x128xf32, #tpu.memory_space<vmem>>, vector<16xf32>,
    tpu.vector_store %arg7[%swap3A_521, %swap3A_522], %broadcast_in_dim3A_3 {strides = array<i32>} : memref<4x128xf32, #tpu.memory_space<vmem>>, vector<16xf32>,
    %get3A_524 = arith.constant 464 : index
    %get3A_525 = tpu.vector_load %arg5[%get3A_524] {strides = array<i32>} : memref<512xi32, #tpu.memory_space<vmem>>, vector<16xi32>,
    %add3A_526 = arith.constant 464 : i32
    %add3A_527 = arith.addi %mul3A_2, %add3A_526 : i32
    %add3A_528 = vector.broadcast %add3A_527 : i32 to vector<16xi32>
    %add3A_529 = arith.addi %add3A_528, %iota3A : vector<16xi32>
    %mul3A_530 = arith.constant 2048 : i32
    %mul3A_531 = vector.broadcast %mul3A_530 : i32 to vector<16xi32>
    %mul3A_532 = arith.muli %add3A_529, %mul3A_531 : vector<16xi32>
    %add3A_533 = arith.addi %mul3A_532, %get3A_525 : vector<16xi32>
    %swap3A_534 = arith.constant 3 : i32
    %swap3A_535 = arith.index_cast %swap3A_534 : i32 to index
    %swap3A_536 = arith.constant 80 : index
    %swap3A_537 = tpu.vector_load %arg6[%swap3A_535, %swap3A_536] {strides = array<i32>} : memref<4x128xi32, #tpu.memory_space<vmem>>, vector<16xi32>,
    tpu.vector_store %arg6[%swap3A_535, %swap3A_536], %add3A_533 {strides = array<i32>} : memref<4x128xi32, #tpu.memory_space<vmem>>, vector<16xi32>,
    %swap3A_538 = arith.constant 3 : i32
    %swap3A_539 = arith.index_cast %swap3A_538 : i32 to index
    %swap3A_540 = arith.constant 80 : index
    %swap3A_541 = tpu.vector_load %arg7[%swap3A_539, %swap3A_540] {strides = array<i32>} : memref<4x128xf32, #tpu.memory_space<vmem>>, vector<16xf32>,
    tpu.vector_store %arg7[%swap3A_539, %swap3A_540], %broadcast_in_dim3A_3 {strides = array<i32>} : memref<4x128xf32, #tpu.memory_space<vmem>>, vector<16xf32>,
    %get3A_542 = arith.constant 480 : index
    %get3A_543 = tpu.vector_load %arg5[%get3A_542] {strides = array<i32>} : memref<512xi32, #tpu.memory_space<vmem>>, vector<16xi32>,
    %add3A_544 = arith.constant 480 : i32
    %add3A_545 = arith.addi %mul3A_2, %add3A_544 : i32
    %add3A_546 = vector.broadcast %add3A_545 : i32 to vector<16xi32>
    %add3A_547 = arith.addi %add3A_546, %iota3A : vector<16xi32>
    %mul3A_548 = arith.constant 2048 : i32
    %mul3A_549 = vector.broadcast %mul3A_548 : i32 to vector<16xi32>
    %mul3A_550 = arith.muli %add3A_547, %mul3A_549 : vector<16xi32>
    %add3A_551 = arith.addi %mul3A_550, %get3A_543 : vector<16xi32>
    %swap3A_552 = arith.constant 3 : i32
    %swap3A_553 = arith.index_cast %swap3A_552 : i32 to index
    %swap3A_554 = arith.constant 96 : index
    %swap3A_555 = tpu.vector_load %arg6[%swap3A_553, %swap3A_554] {strides = array<i32>} : memref<4x128xi32, #tpu.memory_space<vmem>>, vector<16xi32>,
    tpu.vector_store %arg6[%swap3A_553, %swap3A_554], %add3A_551 {strides = array<i32>} : memref<4x128xi32, #tpu.memory_space<vmem>>, vector<16xi32>,
    %swap3A_556 = arith.constant 3 : i32
    %swap3A_557 = arith.index_cast %swap3A_556 : i32 to index
    %swap3A_558 = arith.constant 96 : index
    %swap3A_559 = tpu.vector_load %arg7[%swap3A_557, %swap3A_558] {strides = array<i32>} : memref<4x128xf32, #tpu.memory_space<vmem>>, vector<16xf32>,
    tpu.vector_store %arg7[%swap3A_557, %swap3A_558], %broadcast_in_dim3A_3 {strides = array<i32>} : memref<4x128xf32, #tpu.memory_space<vmem>>, vector<16xf32>,
    %get3A_560 = arith.constant 496 : index
    %get3A_561 = tpu.vector_load %arg5[%get3A_560] {strides = array<i32>} : memref<512xi32, #tpu.memory_space<vmem>>, vector<16xi32>,
    %add3A_562 = arith.constant 496 : i32
    %add3A_563 = arith.addi %mul3A_2, %add3A_562 : i32
    %add3A_564 = vector.broadcast %add3A_563 : i32 to vector<16xi32>
    %add3A_565 = arith.addi %add3A_564, %iota3A : vector<16xi32>
    %mul3A_566 = arith.constant 2048 : i32
    %mul3A_567 = vector.broadcast %mul3A_566 : i32 to vector<16xi32>
    %mul3A_568 = arith.muli %add3A_565, %mul3A_567 : vector<16xi32>
    %add3A_569 = arith.addi %mul3A_568, %get3A_561 : vector<16xi32>
    %swap3A_570 = arith.constant 3 : i32
    %swap3A_571 = arith.index_cast %swap3A_570 : i32 to index
    %swap3A_572 = arith.constant 112 : index
    %swap3A_573 = tpu.vector_load %arg6[%swap3A_571, %swap3A_572] {strides = array<i32>} : memref<4x128xi32, #tpu.memory_space<vmem>>, vector<16xi32>,
    tpu.vector_store %arg6[%swap3A_571, %swap3A_572], %add3A_569 {strides = array<i32>} : memref<4x128xi32, #tpu.memory_space<vmem>>, vector<16xi32>,
    %swap3A_574 = arith.constant 3 : i32
    %swap3A_575 = arith.index_cast %swap3A_574 : i32 to index
    %swap3A_576 = arith.constant 112 : index
    %swap3A_577 = tpu.vector_load %arg7[%swap3A_575, %swap3A_576] {strides = array<i32>} : memref<4x128xf32, #tpu.memory_space<vmem>>, vector<16xf32>,
    tpu.vector_store %arg7[%swap3A_575, %swap3A_576], %broadcast_in_dim3A_3 {strides = array<i32>} : memref<4x128xf32, #tpu.memory_space<vmem>>, vector<16xf32>,
    %dma_start3A = arith.constant 0 : i32
    %dma_start3A_578 = arith.constant 0 : i32
    %dma_start3A_579 = arith.constant 0 : i32
    %dma_start3A_580 = tpu.memref_slice %arg7[%dma_start3A, %dma_start3A_579] : memref<4x128xf32, #tpu.memory_space<vmem>> -> memref<1x128xf32, #tpu.memory_space<vmem>>
    %dma_start3A_581 = tpu.memref_squeeze %dma_start3A_580 : memref<1x128xf32, #tpu.memory_space<vmem>> -> memref<128xf32, #tpu.memory_space<vmem>>
    %dma_start3A_582 = arith.constant 0 : i32
    %dma_start3A_583 = tpu.memref_slice %arg6[%dma_start3A_578, %dma_start3A_582] : memref<4x128xi32, #tpu.memory_space<vmem>> -> memref<1x128xi32, #tpu.memory_space<vmem>>
    %dma_start3A_584 = tpu.memref_squeeze %dma_start3A_583 : memref<1x128xi32, #tpu.memory_space<vmem>> -> memref<128xi32, #tpu.memory_space<vmem>>
    %dma_start3A_585 = arith.constant 0 : i32
    %dma_start3A_586 = tpu.memref_slice %arg4[%dma_start3A_585] : memref<33554432xf32, #tpu.memory_space<hbm>> -> memref<33554432xf32, #tpu.memory_space<hbm>>
    tpu.enqueue_indirect_dma source(%dma_start3A_581 : memref<128xf32, #tpu.memory_space<vmem>>) target(%dma_start3A_586 : memref<33554432xf32, #tpu.memory_space<hbm>>) offsets(%dma_start3A_584 : memref<128xi32, #tpu.memory_space<vmem>>) semaphore(%arg8 : memref<!tpu.dma_semaphore, #tpu.memory_space<semaphore_mem>>)
    %dma_start3A_587 = arith.constant 1 : i32
    %dma_start3A_588 = arith.constant 1 : i32
    %dma_start3A_589 = arith.constant 0 : i32
    %dma_start3A_590 = tpu.memref_slice %arg7[%dma_start3A_587, %dma_start3A_589] : memref<4x128xf32, #tpu.memory_space<vmem>> -> memref<1x128xf32, #tpu.memory_space<vmem>>
    %dma_start3A_591 = tpu.memref_squeeze %dma_start3A_590 : memref<1x128xf32, #tpu.memory_space<vmem>> -> memref<128xf32, #tpu.memory_space<vmem>>
    %dma_start3A_592 = arith.constant 0 : i32
    %dma_start3A_593 = tpu.memref_slice %arg6[%dma_start3A_588, %dma_start3A_592] : memref<4x128xi32, #tpu.memory_space<vmem>> -> memref<1x128xi32, #tpu.memory_space<vmem>>
    %dma_start3A_594 = tpu.memref_squeeze %dma_start3A_593 : memref<1x128xi32, #tpu.memory_space<vmem>> -> memref<128xi32, #tpu.memory_space<vmem>>
    %dma_start3A_595 = arith.constant 0 : i32
    %dma_start3A_596 = tpu.memref_slice %arg4[%dma_start3A_595] : memref<33554432xf32, #tpu.memory_space<hbm>> -> memref<33554432xf32, #tpu.memory_space<hbm>>
    tpu.enqueue_indirect_dma source(%dma_start3A_591 : memref<128xf32, #tpu.memory_space<vmem>>) target(%dma_start3A_596 : memref<33554432xf32, #tpu.memory_space<hbm>>) offsets(%dma_start3A_594 : memref<128xi32, #tpu.memory_space<vmem>>) semaphore(%arg8 : memref<!tpu.dma_semaphore, #tpu.memory_space<semaphore_mem>>)
    %dma_start3A_597 = arith.constant 2 : i32
    %dma_start3A_598 = arith.constant 2 : i32
    %dma_start3A_599 = arith.constant 0 : i32
    %dma_start3A_600 = tpu.memref_slice %arg7[%dma_start3A_597, %dma_start3A_599] : memref<4x128xf32, #tpu.memory_space<vmem>> -> memref<1x128xf32, #tpu.memory_space<vmem>>
    %dma_start3A_601 = tpu.memref_squeeze %dma_start3A_600 : memref<1x128xf32, #tpu.memory_space<vmem>> -> memref<128xf32, #tpu.memory_space<vmem>>
    %dma_start3A_602 = arith.constant 0 : i32
    %dma_start3A_603 = tpu.memref_slice %arg6[%dma_start3A_598, %dma_start3A_602] : memref<4x128xi32, #tpu.memory_space<vmem>> -> memref<1x128xi32, #tpu.memory_space<vmem>>
    %dma_start3A_604 = tpu.memref_squeeze %dma_start3A_603 : memref<1x128xi32, #tpu.memory_space<vmem>> -> memref<128xi32, #tpu.memory_space<vmem>>
    %dma_start3A_605 = arith.constant 0 : i32
    %dma_start3A_606 = tpu.memref_slice %arg4[%dma_start3A_605] : memref<33554432xf32, #tpu.memory_space<hbm>> -> memref<33554432xf32, #tpu.memory_space<hbm>>
    tpu.enqueue_indirect_dma source(%dma_start3A_601 : memref<128xf32, #tpu.memory_space<vmem>>) target(%dma_start3A_606 : memref<33554432xf32, #tpu.memory_space<hbm>>) offsets(%dma_start3A_604 : memref<128xi32, #tpu.memory_space<vmem>>) semaphore(%arg8 : memref<!tpu.dma_semaphore, #tpu.memory_space<semaphore_mem>>)
    %dma_start3A_607 = arith.constant 3 : i32
    %dma_start3A_608 = arith.constant 3 : i32
    %dma_start3A_609 = arith.constant 0 : i32
    %dma_start3A_610 = tpu.memref_slice %arg7[%dma_start3A_607, %dma_start3A_609] : memref<4x128xf32, #tpu.memory_space<vmem>> -> memref<1x128xf32, #tpu.memory_space<vmem>>
    %dma_start3A_611 = tpu.memref_squeeze %dma_start3A_610 : memref<1x128xf32, #tpu.memory_space<vmem>> -> memref<128xf32, #tpu.memory_space<vmem>>
    %dma_start3A_612 = arith.constant 0 : i32
    %dma_start3A_613 = tpu.memref_slice %arg6[%dma_start3A_608, %dma_start3A_612] : memref<4x128xi32, #tpu.memory_space<vmem>> -> memref<1x128xi32, #tpu.memory_space<vmem>>
    %dma_start3A_614 = tpu.memref_squeeze %dma_start3A_613 : memref<1x128xi32, #tpu.memory_space<vmem>> -> memref<128xi32, #tpu.memory_space<vmem>>
    %dma_start3A_615 = arith.constant 0 : i32
    %dma_start3A_616 = tpu.memref_slice %arg4[%dma_start3A_615] : memref<33554432xf32, #tpu.memory_space<hbm>> -> memref<33554432xf32, #tpu.memory_space<hbm>>
    tpu.enqueue_indirect_dma source(%dma_start3A_611 : memref<128xf32, #tpu.memory_space<vmem>>) target(%dma_start3A_616 : memref<33554432xf32, #tpu.memory_space<hbm>>) offsets(%dma_start3A_614 : memref<128xi32, #tpu.memory_space<vmem>>) semaphore(%arg8 : memref<!tpu.dma_semaphore, #tpu.memory_space<semaphore_mem>>)
    %dma_wait3A = arith.constant 0 : i32
    %dma_wait3A_617 = arith.constant 0 : i32
    %dma_wait3A_618 = arith.constant 0 : i32
    %dma_wait3A_619 = tpu.memref_slice %arg7[%dma_wait3A, %dma_wait3A_618] : memref<4x128xf32, #tpu.memory_space<vmem>> -> memref<1x128xf32, #tpu.memory_space<vmem>>
    %dma_wait3A_620 = tpu.memref_squeeze %dma_wait3A_619 : memref<1x128xf32, #tpu.memory_space<vmem>> -> memref<128xf32, #tpu.memory_space<vmem>>
    %dma_wait3A_621 = arith.constant 0 : i32
    %dma_wait3A_622 = tpu.memref_slice %arg6[%dma_wait3A_617, %dma_wait3A_621] : memref<4x128xi32, #tpu.memory_space<vmem>> -> memref<1x128xi32, #tpu.memory_space<vmem>>
    %dma_wait3A_623 = tpu.memref_squeeze %dma_wait3A_622 : memref<1x128xi32, #tpu.memory_space<vmem>> -> memref<128xi32, #tpu.memory_space<vmem>>
    %dma_wait3A_624 = arith.constant 0 : i32
    %dma_wait3A_625 = tpu.memref_slice %arg4[%dma_wait3A_624] : memref<33554432xf32, #tpu.memory_space<hbm>> -> memref<33554432xf32, #tpu.memory_space<hbm>>
    tpu.wait_indirect_dma semaphore(%arg8 : memref<!tpu.dma_semaphore, #tpu.memory_space<semaphore_mem>>) src(%dma_wait3A_620 : memref<128xf32, #tpu.memory_space<vmem>>) dst(%dma_wait3A_625 : memref<33554432xf32, #tpu.memory_space<hbm>>)
    %dma_wait3A_626 = arith.constant 1 : i32
    %dma_wait3A_627 = arith.constant 1 : i32
    %dma_wait3A_628 = arith.constant 0 : i32
    %dma_wait3A_629 = tpu.memref_slice %arg7[%dma_wait3A_626, %dma_wait3A_628] : memref<4x128xf32, #tpu.memory_space<vmem>> -> memref<1x128xf32, #tpu.memory_space<vmem>>
    %dma_wait3A_630 = tpu.memref_squeeze %dma_wait3A_629 : memref<1x128xf32, #tpu.memory_space<vmem>> -> memref<128xf32, #tpu.memory_space<vmem>>
    %dma_wait3A_631 = arith.constant 0 : i32
    %dma_wait3A_632 = tpu.memref_slice %arg6[%dma_wait3A_627, %dma_wait3A_631] : memref<4x128xi32, #tpu.memory_space<vmem>> -> memref<1x128xi32, #tpu.memory_space<vmem>>
    %dma_wait3A_633 = tpu.memref_squeeze %dma_wait3A_632 : memref<1x128xi32, #tpu.memory_space<vmem>> -> memref<128xi32, #tpu.memory_space<vmem>>
    %dma_wait3A_634 = arith.constant 0 : i32
    %dma_wait3A_635 = tpu.memref_slice %arg4[%dma_wait3A_634] : memref<33554432xf32, #tpu.memory_space<hbm>> -> memref<33554432xf32, #tpu.memory_space<hbm>>
    tpu.wait_indirect_dma semaphore(%arg8 : memref<!tpu.dma_semaphore, #tpu.memory_space<semaphore_mem>>) src(%dma_wait3A_630 : memref<128xf32, #tpu.memory_space<vmem>>) dst(%dma_wait3A_635 : memref<33554432xf32, #tpu.memory_space<hbm>>)
    %dma_wait3A_636 = arith.constant 2 : i32
    %dma_wait3A_637 = arith.constant 2 : i32
    %dma_wait3A_638 = arith.constant 0 : i32
    %dma_wait3A_639 = tpu.memref_slice %arg7[%dma_wait3A_636, %dma_wait3A_638] : memref<4x128xf32, #tpu.memory_space<vmem>> -> memref<1x128xf32, #tpu.memory_space<vmem>>
    %dma_wait3A_640 = tpu.memref_squeeze %dma_wait3A_639 : memref<1x128xf32, #tpu.memory_space<vmem>> -> memref<128xf32, #tpu.memory_space<vmem>>
    %dma_wait3A_641 = arith.constant 0 : i32
    %dma_wait3A_642 = tpu.memref_slice %arg6[%dma_wait3A_637, %dma_wait3A_641] : memref<4x128xi32, #tpu.memory_space<vmem>> -> memref<1x128xi32, #tpu.memory_space<vmem>>
    %dma_wait3A_643 = tpu.memref_squeeze %dma_wait3A_642 : memref<1x128xi32, #tpu.memory_space<vmem>> -> memref<128xi32, #tpu.memory_space<vmem>>
    %dma_wait3A_644 = arith.constant 0 : i32
    %dma_wait3A_645 = tpu.memref_slice %arg4[%dma_wait3A_644] : memref<33554432xf32, #tpu.memory_space<hbm>> -> memref<33554432xf32, #tpu.memory_space<hbm>>
    tpu.wait_indirect_dma semaphore(%arg8 : memref<!tpu.dma_semaphore, #tpu.memory_space<semaphore_mem>>) src(%dma_wait3A_640 : memref<128xf32, #tpu.memory_space<vmem>>) dst(%dma_wait3A_645 : memref<33554432xf32, #tpu.memory_space<hbm>>)
    %dma_wait3A_646 = arith.constant 3 : i32
    %dma_wait3A_647 = arith.constant 3 : i32
    %dma_wait3A_648 = arith.constant 0 : i32
    %dma_wait3A_649 = tpu.memref_slice %arg7[%dma_wait3A_646, %dma_wait3A_648] : memref<4x128xf32, #tpu.memory_space<vmem>> -> memref<1x128xf32, #tpu.memory_space<vmem>>
    %dma_wait3A_650 = tpu.memref_squeeze %dma_wait3A_649 : memref<1x128xf32, #tpu.memory_space<vmem>> -> memref<128xf32, #tpu.memory_space<vmem>>
    %dma_wait3A_651 = arith.constant 0 : i32
    %dma_wait3A_652 = tpu.memref_slice %arg6[%dma_wait3A_647, %dma_wait3A_651] : memref<4x128xi32, #tpu.memory_space<vmem>> -> memref<1x128xi32, #tpu.memory_space<vmem>>
    %dma_wait3A_653 = tpu.memref_squeeze %dma_wait3A_652 : memref<1x128xi32, #tpu.memory_space<vmem>> -> memref<128xi32, #tpu.memory_space<vmem>>
    %dma_wait3A_654 = arith.constant 0 : i32
    %dma_wait3A_655 = tpu.memref_slice %arg4[%dma_wait3A_654] : memref<33554432xf32, #tpu.memory_space<hbm>> -> memref<33554432xf32, #tpu.memory_space<hbm>>
    tpu.wait_indirect_dma semaphore(%arg8 : memref<!tpu.dma_semaphore, #tpu.memory_space<semaphore_mem>>) src(%dma_wait3A_650 : memref<128xf32, #tpu.memory_space<vmem>>) dst(%dma_wait3A_655 : memref<33554432xf32, #tpu.memory_space<hbm>>)
    return
  }
}

module attributes {stable_mosaic.version = 14 : i64} {
  func.func @_zero_body(%arg0: i32, %arg1: memref<1048576xf32, #tpu.memory_space<vmem>>) attributes {dimension_semantics = [#tpu.dimension_semantics<arbitrary>], iteration_bounds = array<i64: 32>, scalar_prefetch = 0 : i64, scratch_operands = 0 : i64, tpu.core_type = #tpu.core_type<tc>, window_params = [{transform_indices = @transform_0, window_bounds = array<i64: 1048576>}]} {
    %broadcast_in_dim3A = arith.constant 0.000000e+00 : f32
    %broadcast_in_dim3A_0 = vector.broadcast %broadcast_in_dim3A : f32 to vector<1048576xf32>
    %swap3A = arith.constant 0 : index
    %swap3A_1 = vector.load %arg1[%swap3A] : memref<1048576xf32, #tpu.memory_space<vmem>>, vector<1048576xf32>
    tpu.vector_store %arg1[%swap3A], %broadcast_in_dim3A_0 {strides = array<i32>} : memref<1048576xf32, #tpu.memory_space<vmem>>, vector<1048576xf32>,
    return
  }
  func.func @transform_0(%arg0: i32) -> i32 {
    %c0_i32 = arith.constant 0 : i32
    return %arg0 : i32
  }
}

</mosaic_0001>

<sc_bundles>
// kernel: kernel.4.cloned.1.call-start
scs
__scs_entry_jumppad:
0x0: {  	(pc) =	sbr.rel $0x88, $3  }
0x1: {  	(tag) =	ssettag $0x0;
	lr =	simm.s32 $0x1  }
0x2: {  	[smem:$0x3FA0] =	sst lr;
	_ =	strace $0xD0000000  }
0x3: {  	_ = 	snop  }
0x4: {  	_ = 	snop  }
0x5: {  	_ = 	snop  }
0x6: {  	_ = 	snop  }
0x7: {  	_ = 	snop  }
__scs_overlays_trampoline_lowered:
0x8: {  	[smem:$0x3FAF] =	sst s0  }
0x9: {  	[smem:$0x3FB0] =	sst s1  }
0xa: {  	[smem:$0x3FB1] =	sst s2  }
0xb: {  	[smem:$0x3FB2] =	sst s3  }
0xc: {  	[smem:$0x3FB3] =	sst s4  }
0xd: {  	[smem:$0x3FB4] =	sst s5  }
0xe: {  	[smem:$0x3FB5] =	sst s6  }
0xf: {  	[smem:$0x3FB6] =	sst s7  }
0x10: {  	[smem:$0x3FB7] =	sst s8  }
0x11: {  	[smem:$0x3FB8] =	sst s9;
	s0 =	simm.s32 @!p0 $0x0  }
0x12: {  	s1 =	sld [smem:$0x3F9E];
	s0 =	simm.s32 @p0 $0x1  }
0x13: {  	[smem:$0x3FB9] =	sst s0;
	s0 =	simm.s32 @!p1 $0x0  }
0x14: {  	s2 =	sld [smem:$0x3F9D];
	s0 =	simm.s32 @p1 $0x1  }
0x15: {  	[smem:$0x3FBA] =	sst s0;
	s0 =	simm.s32 @!p2 $0x0  }
0x16: {  	s3 =	sld [smem:$0x3FDB];
	s0 =	simm.s32 @p2 $0x1  }
0x17: {  	s4 =	simm.s32 $0x1BF5;
	[smem:$0x3FBC] =	sst s0  }
0x18: {  	s0 =	sld [smem:$0x3F9F];
	_ =	swait.ge [sflag:s4], $0x0  }
0x19: {  	s7 =	sld [smem:$0x3FA0]  }
0x1a: {  	s8 =	sadd.s32 $0xFFFFE003, lr  }
0x1b: {  	s9 =	sadd.s32 $0xFFFFFEF7, lr;
	s5 =	simm.s32 $0xFFFFFFFF;
	p2 =	slt.u32 s8, $0xFFFFF086  }
0x1c: {  	p1 =	slt.u32 s9, $0xF7A;
	s5 =	simm.s32 @!p2 $0x0  }
0x1d: {  	s5 =	simm.s32 @p1 $0x1;
	p0 =	seq.s32 s7, s2  }
0x1e: {  	s7 =	smul.u32 @!p0 $0xF7A, s2;
	p2 =	seq.s32 @!p0 s5, $0x0  }
0x1f: {  	s9 =	smul.u32 $0xF7A, s1;
	s8 =	simm.s32 @!p0 $0x1BF5;
	p2 =	por !p2, p0  }
0x20: {  	[sflag:s8] =	ssyncset.s32 @!p0 $0xFFFFF086;
	s6 =	sadd.s32 @!p0 s3, s7;
	s7 =	simm.s32 @!p0 $0x108  }
0x21: {  	s3 =	sadd.s32 s3, s9;
	s6 =	sadd.s32 @!p0 $0x88, s6;
	s7 =	simm.s32 @p2 $0x1082  }
0x22: {  	[simem:s7], [sflag:s8] =	dma.local @!p0 [hbm:s6], $0xF7A  }
0x23: {  	s9 =	sor.u32 $0xD0000000, s2;
	s6 =	simm.s32 $0x108;
	_ =	swait.ge @!p0 [sflag:s8], $0x0  }
0x24: {  	s3 =	sadd.s32 $0x88, s3;
	s6 =	simm.s32 @!p1 $0x1082;
	[sflag:s4] =	ssyncset.s32 $0xFFFFF086  }
0x25: {  	[simem:s6], [sflag:s4] =	dma.local [hbm:s3], $0xF7A  }
0x26: {  	[smem:$0x3FA0] =	sst s1;
	(tag) =	ssettag s2;
	_ =	strace s9  }
0x27: {  	s1 =	sld [smem:$0x3FB0]  }
0x28: {  	s2 =	sld [smem:$0x3FB1]  }
0x29: {  	s4 =	sld [smem:$0x3FB3]  }
0x2a: {  	p0 =	seq.s32 s5, $0x0;
	s5 =	sld [smem:$0x3FB4]  }
0x2b: {  	s6 =	sld [smem:$0x3FB5]  }
0x2c: {  	s7 =	sld [smem:$0x3FB6]  }
0x2d: {  	s3 =	simm.s32 $0x108;
	s8 =	sld [smem:$0x3FB7]  }
0x2e: {  	s3 =	simm.s32 @!p0 $0x1082;
	s9 =	sld [smem:$0x3FB8]  }
0x2f: {  	lr =	sadd.s32 s0, s3;
	s0 =	sld [smem:$0x3FAF]  }
0x30: {  	s3 =	sld [smem:$0x3FB2]  }
0x31: {  	[smem:$0x3FBB] =	sst s10  }
0x32: {  	s10 =	sld [smem:$0x3FB9];
	_ =	sdelay $0x3  }
0x33: {  	p0 =	seq.s32 s10, $0x1;
	s10 =	sld [smem:$0x3FBB];
	_ =	sdelay $0x3  }
0x34: {  	[smem:$0x3FBB] =	sst s10  }
0x35: {  	s10 =	sld [smem:$0x3FBA];
	_ =	sdelay $0x3  }
0x36: {  	p1 =	seq.s32 s10, $0x1;
	s10 =	sld [smem:$0x3FBB];
	_ =	sdelay $0x3  }
0x37: {  	[smem:$0x3FBB] =	sst s10  }
0x38: {  	s10 =	sld [smem:$0x3FBC]  }
0x39: {  	_ = 	snop;
	(pc) =	sbr.ind lr, $3  }
0x3a: {  	_ = 	snop  }
0x3b: {  	_ = 	snop  }
0x3c: {  	p2 =	seq.s32 s10, $0x1;
	s10 =	sld [smem:$0x3FBB]  }
0x3d: {  	_ =	shalt  }
0x3e: {  	_ =	shalt  }
0x3f: {  	_ =	shalt  }
0x40: {  	_ =	shalt  }
0x41: {  	_ =	shalt  }
0x42: {  	_ =	shalt  }
0x43: {  	_ =	shalt  }
0x44: {  	_ =	shalt  }
0x45: {  	_ =	shalt  }
0x46: {  	_ =	shalt  }
0x47: {  	_ =	shalt  }
0x48: {  	_ =	shalt  }
0x49: {  	_ =	shalt  }
0x4a: {  	_ =	shalt  }
0x4b: {  	_ =	shalt  }
0x4c: {  	_ =	shalt  }
0x4d: {  	_ =	shalt  }
0x4e: {  	_ =	shalt  }
0x4f: {  	_ =	shalt  }
0x50: {  	_ =	shalt  }
0x51: {  	_ =	shalt  }
0x52: {  	_ =	shalt  }
0x53: {  	_ =	shalt  }
0x54: {  	_ =	shalt  }
0x55: {  	_ =	shalt  }
0x56: {  	_ =	shalt  }
0x57: {  	_ =	shalt  }
0x58: {  	_ =	shalt  }
0x59: {  	_ =	shalt  }
0x5a: {  	_ =	shalt  }
0x5b: {  	_ =	shalt  }
0x5c: {  	_ =	shalt  }
0x5d: {  	_ =	shalt  }
0x5e: {  	_ =	shalt  }
0x5f: {  	_ =	shalt  }
0x60: {  	_ =	shalt  }
0x61: {  	_ =	shalt  }
0x62: {  	_ =	shalt  }
0x63: {  	_ =	shalt  }
0x64: {  	_ =	shalt  }
0x65: {  	_ =	shalt  }
0x66: {  	_ =	shalt  }
0x67: {  	_ =	shalt  }
0x68: {  	_ =	shalt  }
0x69: {  	_ =	shalt  }
0x6a: {  	_ =	shalt  }
0x6b: {  	_ =	shalt  }
0x6c: {  	_ =	shalt  }
0x6d: {  	_ =	shalt  }
0x6e: {  	_ =	shalt  }
0x6f: {  	_ =	shalt  }
0x70: {  	_ =	shalt  }
0x71: {  	_ =	shalt  }
0x72: {  	_ =	shalt  }
0x73: {  	_ =	shalt  }
0x74: {  	_ =	shalt  }
0x75: {  	_ =	shalt  }
0x76: {  	_ =	shalt  }
0x77: {  	_ =	shalt  }
0x78: {  	_ =	shalt  }
0x79: {  	_ =	shalt  }
0x7a: {  	_ =	shalt  }
0x7b: {  	_ =	shalt  }
0x7c: {  	_ =	shalt  }
0x7d: {  	_ =	shalt  }
0x7e: {  	_ =	shalt  }
0x7f: {  	_ =	shalt  }
0x80: {  	_ =	shalt  }
0x81: {  	_ =	shalt  }
0x82: {  	_ =	shalt  }
0x83: {  	_ =	shalt  }
0x84: {  	_ =	shalt  }
0x85: {  	_ =	shalt  }
0x86: {  	_ =	shalt  }
0x87: {  	_ =	shalt  }
.Lfunc_end0:
.L_simem_size_0:
called_computation_lowered:
.L_overlay_start_0:
0x88: {  	s2 =	sld [smem:$0x3FD9]  }
0x89: {  	s3 =	sld [smem:$0x3FFE];
	_ =	sdelay $0x1  }
0x8a: {  	s1 =	srdreg.scid  }
0x8b: {  	s0 =	sand.u32 $0x1, s1  }
0x8c: {  	s17 =	sshll.u32 s0, $0xA;
	s2 =	sadd.s32 s3, s2  }
0x8d: {  	s2 =	sadd.s32 s2, s17  }
0x8e: {  	[smem:$0x3FC7] =	sst s2  }
0x8f: {  	_ = 	snop  }
0x90: {  	s2 =	sld [smem:$0x3FD0];
	(tm) =	ssettm $0x1  }
0x91: {  	s18 =	sld [smem:$0x3FFB];
	_ =	sdelay $0x3  }
0x92: {  	_ =	strace s18  }
0x93: {  	s3 =	sld [smem:$0x3FFC];
	_ =	sdelay $0x3  }
0x94: {  	_ =	strace s3  }
0x95: {  	s3 =	sld [smem:$0x3FFD];
	_ =	sdelay $0x3  }
0x96: {  	_ =	strace s3  }
0x97: {  	_ =	strace $0x8FFFFFFF  }
0x98: {  	s19 =	sld [smem:$0x3FDB];
	_ =	sdelay $0x1  }
0x99: {  	s4 =	simm.s32 $_scs_section_size  }
0x9a: {  	s5 =	simm.s32 $_size__tile_overlayer_lowered;
	s6 =	simm.s32 $_tile_overlayer_lowered  }
0x9b: {  	s22 =	simm.s32 $0x1BFF;
	s21 =	sshll.u32 s6, $0x1;
	s3 =	sadd.s32 s4, s19  }
0x9c: {  	s7 =	simm.s32 $0x0;
	s20 =	sshll.u32 s5, $0x1;
	s5 =	sadd.s32 s21, s3  }
0x9d: {  	[timem:s7], [sflag:s22] =	dma.local [hbm:s5], s20  }
0x9e: {  	_ =	swait.ge [sflag:s22], s20  }
0x9f: {  	s4 =	ssub.s32 $0x0, s20;
	[sflag:s22] =	ssyncset.done $0x0  }
0xa0: {  	[sflag:s22] =	ssyncadd.s32 s4;
	_ =	sdelay $0x1  }
0xa1: {  	s23 =	simm.s32 $0x1B8B  }
0xa2: {  	_ =	swait.ge [sflag:s23], $0x1  }
0xa3: {  	[sflag:s23] =	ssyncset.done $0x0  }
0xa4: {  	s25 =	simm.s32 $0x1B8E;
	s24 =	sld [smem:$0x3FFE];
	[sflag:s23] =	ssyncadd.s32 $0xFFFFFFFF  }
0xa5: {  	s26 =	simm.s32 $execute0_lowered;
	[smem:$0x3FD2] =	sst s25  }
0xa6: {  	s5 =	sshll.u32 s26, $0x1;
	_ =	strace $0x80000046;
	[dreg:$0x1] =	wrdreg $0xFFFFFFFF  }
0xa7: {  	s28 =	simm.s32 $_size_execute0_lowered;
	s3 =	sadd.s32 s3, s5;
	[dreg:$0x0] =	wrdreg $0x0  }
0xa8: {  	s5 =	sshll.u32 s28, $0x1;
	[dreg:$0x2] =	wrdreg s3  }
0xa9: {  	[dreg:$0x3] =	wrdreg s5  }
0xaa: {  	[dreg:$0x4] =	wrdreg $0xC0  }
0xab: {  	_ =	task [dreg:s7], $0x5FFFF  }
0xac: {  	[dreg:$0x1] =	wrdreg $0xFFFFFFFF  }
0xad: {  	[dreg:$0x0] =	wrdreg $0x60  }
0xae: {  	[dreg:$0x2] =	wrdreg s24  }
0xaf: {  	[dreg:$0x3] =	wrdreg s2  }
0xb0: {  	[dreg:$0x4] =	wrdreg $0x9  }
0xb1: {  	_ =	task.clear_ibuf [dreg:s7], $0x5FFFF;
	_ =	strace $0x90000046  }
0xb2: {  	s29 =	simm.s32 $0x9;
	_ =	strace $0x80000048  }
0xb3: {  	_ =	swait.ge [sflag:s29], $0x1  }
0xb4: {  	[sflag:s29] =	ssyncadd.s32 $0xFFFFFFFF  }
0xb5: {  	_ =	strace $0x90000048  }
0xb6: {  	_ =	sfence  }
0xb7: {  	s30 =	sld [smem:$0x0];
	_ =	sdelay $0x2  }
0xb8: {  	s31 =	sshll.u32 s1, $0xD;
	s1 =	sshrl.u32 s1, $0x2  }
0xb9: {  	s3 =	sand.u32 $0x4000, s31;
	s1 =	sadd.s32 s1, s30  }
0xba: {  	s0 =	sor.u32 s3, s0;
	s1 =	sshll.u32 s1, $0x11  }
0xbb: {  	s0 =	sor.u32 s1, s0  }
0xbc: {  	s0 =	sadd.s32 $0x8F2B, s0  }
0xbd: {  	[sflag:s0] =	ssyncadd.remote.s32 $0x1  }
0xbe: {  	_ =	sfence.sel $0xFFFF  }
0xbf: {  	[dreg:$0x0] =	wrdreg $0xFFFFFFFF;
	(pc) =	sbr.abs _section_cstart, $3  }
0xc0: {  	[dreg:$0x1] =	wrdreg $0xFFFFFFFF  }
0xc1: {  	_ =	task.clear_ibuf [dreg:s7], $0x2FFFF;
	_ =	strace $0x9FFFFFFF  }
0xc2: {  	(tm) =	ssettm $0x7FFFFFFF  }
0xc3: {  	_ =	shalt  }
tec
execute0_lowered:
.L_overlay_start_1:
0x0: {  	(tag) =	ssettag $0x1  }
0x1: {  	s1 =	srdreg.scid  }
0x2: {  	s0 =	stileid.u32;
	s4 =	sand.u32 $0x1, s1  }
0x3: {  	s31 =	sshll.u32 s0, $0xA;
	s2 =	sshll.u32 s4, $0x9  }
0x4: {  	v0 =	vlaneseq.u32;
	s5 =	sor.u32 s2, s31  }
0x5: {  	v31 =	vmul.u32 $0x800, v0;
	s1 =	sor.u32 $0x10, s5;
	v1 =	vmov s5;
	s6 =	sor.u32 $0x30, s5  }
0x6: {  	s2 =	sor.u32 $0x40, s5;
	s7 =	sor.u32 $0x50, s5;
	s8 =	sor.u32 $0x60, s5;
	v0 =	vmov s1;
	v1 =	vshll.u32 v1, $0xB;
	v3 =	vmov s6  }
0x7: {  	s9 =	sor.u32 $0x70, s5;
	s10 =	sor.u32 $0x80, s5;
	s11 =	sor.u32 $0x90, s5;
	v4 =	vmov s2;
	v5 =	vmov s7;
	v6 =	vmov s8  }
0x8: {  	s12 =	sor.u32 $0xA0, s5;
	s13 =	sor.u32 $0xB0, s5;
	s14 =	sor.u32 $0xC0, s5;
	v7 =	vmov s9;
	v8 =	vmov s10;
	v9 =	vmov s11  }
0x9: {  	s15 =	sor.u32 $0xD0, s5;
	s16 =	sor.u32 $0xE0, s5;
	s17 =	sor.u32 $0xF0, s5;
	v10 =	vmov s12;
	v11 =	vmov s13;
	v12 =	vmov s14  }
0xa: {  	s18 =	sor.u32 $0x100, s5;
	s19 =	sor.u32 $0x110, s5;
	s20 =	sor.u32 $0x120, s5;
	v13 =	vmov s15;
	v14 =	vmov s16;
	v15 =	vmov s17  }
0xb: {  	s21 =	sor.u32 $0x130, s5;
	s22 =	sor.u32 $0x140, s5;
	s23 =	sor.u32 $0x150, s5;
	v16 =	vmov s18;
	v17 =	vmov s19;
	v18 =	vmov s20  }
0xc: {  	s24 =	sor.u32 $0x180, s5;
	s25 =	sor.u32 $0x1A0, s5;
	s28 =	sor.u32 $0x1B0, s5;
	v19 =	vmov s21;
	v20 =	vmov s22;
	v21 =	vmov s23  }
0xd: {  	s29 =	sor.u32 $0x1C0, s5;
	s30 =	sor.u32 $0x1D0, s5;
	s31 =	sor.u32 $0x1E0, s5;
	v24 =	vmov s24;
	v26 =	vmov s25;
	v27 =	vmov s28  }
0xe: {  	v28 =	vmov s29;
	v29 =	vmov s30;
	v30 =	vmov s31  }
0xf: {  	v2 =	vshll.u32 v0, $0xB;
	v0 =	vor.u32 v31, v1;
	v3 =	vshll.u32 v3, $0xB  }
0x10: {  	v4 =	vshll.u32 v4, $0xB;
	v5 =	vshll.u32 v5, $0xB;
	v6 =	vshll.u32 v6, $0xB  }
0x11: {  	v7 =	vshll.u32 v7, $0xB;
	v8 =	vshll.u32 v8, $0xB;
	v9 =	vshll.u32 v9, $0xB  }
0x12: {  	v10 =	vshll.u32 v10, $0xB;
	v11 =	vshll.u32 v11, $0xB;
	v12 =	vshll.u32 v12, $0xB  }
0x13: {  	v13 =	vshll.u32 v13, $0xB;
	v14 =	vshll.u32 v14, $0xB;
	v15 =	vshll.u32 v15, $0xB  }
0x14: {  	v16 =	vshll.u32 v16, $0xB;
	v17 =	vshll.u32 v17, $0xB;
	v18 =	vshll.u32 v18, $0xB  }
0x15: {  	s7 =	sor.u32 $0x170, s5;
	s8 =	sor.u32 $0x190, s5;
	v19 =	vshll.u32 v19, $0xB;
	v20 =	vshll.u32 v20, $0xB;
	v21 =	vshll.u32 v21, $0xB  }
0x16: {  	v23 =	vmov s7;
	v25 =	vmov s8;
	v24 =	vshll.u32 v24, $0xB  }
0x17: {  	s10 =	sor.u32 $0x1F0, s5;
	v26 =	vshll.u32 v26, $0xB;
	v27 =	vshll.u32 v27, $0xB;
	v28 =	vshll.u32 v28, $0xB  }
0x18: {  	s3 =	sor.u32 $0x20, s5;
	v29 =	vshll.u32 v29, $0xB;
	v32 =	vmov s10;
	v30 =	vshll.u32 v30, $0xB  }
0x19: {  	v1 =	vor.u32 v31, v2;
	v2 =	vmov s3;
	v3 =	vor.u32 v31, v3  }
0x1a: {  	v4 =	vor.u32 v31, v4;
	v5 =	vor.u32 v31, v5;
	v6 =	vor.u32 v31, v6  }
0x1b: {  	v7 =	vor.u32 v31, v7;
	v8 =	vor.u32 v31, v8;
	v9 =	vor.u32 v31, v9  }
0x1c: {  	v10 =	vor.u32 v31, v10;
	v11 =	vor.u32 v31, v11;
	v12 =	vor.u32 v31, v12  }
0x1d: {  	s4 =	ssub.s32 $0x2, s4;
	s6 =	rddreg [dreg:$0x0];
	v13 =	vor.u32 v31, v13;
	v14 =	vor.u32 v31, v14;
	v15 =	vor.u32 v31, v15  }
0x1e: {  	s26 =	sshrl.u32 s4, $0x1;
	s2 =	rddreg [dreg:$0x1];
	v16 =	vor.u32 v31, v16;
	v17 =	vor.u32 v31, v17;
	v18 =	vor.u32 v31, v18  }
0x1f: {  	s1 =	rddreg [dreg:$0x2];
	s9 =	sshrl.u32 s5, $0x3;
	s11 =	simm.s32 $0x480;
	v19 =	vor.u32 v31, v19;
	v20 =	vor.u32 v31, v20;
	v21 =	vor.u32 v31, v21  }
0x20: {  	s12 =	simm.s32 $0x300;
	s13 =	simm.s32 $0x500;
	s14 =	simm.s32 $0x380;
	v23 =	vshll.u32 v23, $0xB;
	v25 =	vshll.u32 v25, $0xB;
	v24 =	vor.u32 v31, v24  }
0x21: {  	s15 =	simm.s32 $0x580;
	s16 =	simm.s32 $0x1;
	s6 =	sadd.s32 s9, s6;
	v26 =	vor.u32 v31, v26;
	v27 =	vor.u32 v31, v27;
	v28 =	vor.u32 v31, v28  }
0x22: {  	s8 =	ssub.s32 s4, s26;
	s7 =	simm.s32 $0x80;
	s3 =	sor.u32 $0x160, s5;
	v29 =	vor.u32 v31, v29;
	v32 =	vshll.u32 v32, $0xB;
	v30 =	vor.u32 v31, v30  }
0x23: {  	s9 =	simm.s32 $0x400;
	s10 =	simm.s32 $0x280;
	v2 =	vshll.u32 v2, $0xB;
	v22 =	vmov s3;
	s3 =	simm.s32 $0x0;
	v23 =	vor.u32 v31, v23  }
0x24: {  	s4 =	sadd.s32 $0x600, s6;
	s5 =	smax.u32 s8, $0x1;
	v25 =	vor.u32 v31, v25;
	v2 =	vor.u32 v31, v2;
	v22 =	vshll.u32 v22, $0xB;
	[smem:$0x7FF] =	sst s3  }
0x25: {  	s6 =	simm.s32 $0x2;
	s8 =	simm.s32 $0x200;
	v22 =	vor.u32 v31, v22;
	_ =	strace $0x80000047;
	v31 =	vor.u32 v31, v32;
	v32 =	vimm.f32 $1.000000000e+00  }
.LBB2_1:
0x26: {  	[tilespmem:s3], [sflag:$0x2] =	stream.linear.gather [hbm4b:s4+s3], $0x200, $0x38;
	[tilespmem:$0x600] =	vst v63  }
0x27: {  	_ =	swait.ge [sflag:s6], $0x200  }
0x28: {  	[sflag:s6] =	ssyncset.done $0x0  }
0x29: {  	[sflag:s6] =	ssyncadd.s32 $0xFFFFFE00  }
0x2a: {  	[tilespmem:$0x400] =	vst v32  }
0x2b: {  	[tilespmem:$0x410] =	vst v32  }
0x2c: {  	[tilespmem:$0x420] =	vst v32  }
0x2d: {  	[tilespmem:$0x430] =	vst v32  }
0x2e: {  	[tilespmem:$0x440] =	vst v32  }
0x2f: {  	[tilespmem:$0x450] =	vst v32  }
0x30: {  	[tilespmem:$0x460] =	vst v32  }
0x31: {  	[tilespmem:$0x470] =	vst v32  }
0x32: {  	[tilespmem:$0x480] =	vst v32  }
0x33: {  	[tilespmem:$0x490] =	vst v32  }
0x34: {  	[tilespmem:$0x4A0] =	vst v32  }
0x35: {  	[tilespmem:$0x4B0] =	vst v32  }
0x36: {  	[tilespmem:$0x4C0] =	vst v32  }
0x37: {  	[tilespmem:$0x4D0] =	vst v32  }
0x38: {  	[tilespmem:$0x4E0] =	vst v32  }
0x39: {  	[tilespmem:$0x4F0] =	vst v32  }
0x3a: {  	[tilespmem:$0x500] =	vst v32  }
0x3b: {  	[tilespmem:$0x510] =	vst v32  }
0x3c: {  	[tilespmem:$0x520] =	vst v32  }
0x3d: {  	[tilespmem:$0x530] =	vst v32  }
0x3e: {  	[tilespmem:$0x540] =	vst v32  }
0x3f: {  	[tilespmem:$0x550] =	vst v32  }
0x40: {  	[tilespmem:$0x560] =	vst v32  }
0x41: {  	[tilespmem:$0x570] =	vst v32  }
0x42: {  	[tilespmem:$0x580] =	vst v32  }
0x43: {  	[tilespmem:$0x590] =	vst v32  }
0x44: {  	v33 =	vld [tilespmem:$0x0];
	[tilespmem:$0x5A0] =	vst v32  }
0x45: {  	v34 =	vld [tilespmem:$0x10];
	[tilespmem:$0x5B0] =	vst v32  }
0x46: {  	v35 =	vld [tilespmem:$0x20];
	[tilespmem:$0x5C0] =	vst v32  }
0x47: {  	v36 =	vld [tilespmem:$0x30];
	[tilespmem:$0x5D0] =	vst v32  }
0x48: {  	v37 =	vld [tilespmem:$0x40];
	[tilespmem:$0x5E0] =	vst v32  }
0x49: {  	v38 =	vld [tilespmem:$0x50];
	[tilespmem:$0x5F0] =	vst v32;
	v33 =	vadd.s32 v0, v33  }
0x4a: {  	v63 =	vld [tilespmem:$0x60];
	v62 =	vadd.s32 v1, v34;
	[tilespmem:$0x200] =	vst v33  }
0x4b: {  	v40 =	vld [tilespmem:$0x70];
	v39 =	vadd.s32 v2, v35;
	[tilespmem:$0x210] =	vst v62  }
0x4c: {  	v42 =	vld [tilespmem:$0x80];
	v41 =	vadd.s32 v3, v36;
	[tilespmem:$0x220] =	vst v39  }
0x4d: {  	v44 =	vld [tilespmem:$0x90];
	v43 =	vadd.s32 v4, v37;
	[tilespmem:$0x230] =	vst v41  }
0x4e: {  	v46 =	vld [tilespmem:$0xA0];
	v45 =	vadd.s32 v5, v38;
	[tilespmem:$0x240] =	vst v43  }
0x4f: {  	v48 =	vld [tilespmem:$0xB0];
	v47 =	vadd.s32 v6, v63;
	[tilespmem:$0x250] =	vst v45  }
0x50: {  	v50 =	vld [tilespmem:$0xC0];
	v49 =	vadd.s32 v7, v40;
	[tilespmem:$0x260] =	vst v47  }
0x51: {  	v52 =	vld [tilespmem:$0xD0];
	v51 =	vadd.s32 v8, v42;
	[tilespmem:$0x270] =	vst v49  }
0x52: {  	v54 =	vld [tilespmem:$0xE0];
	v53 =	vadd.s32 v9, v44;
	[tilespmem:$0x280] =	vst v51  }
0x53: {  	v56 =	vld [tilespmem:$0xF0];
	v55 =	vadd.s32 v10, v46;
	[tilespmem:$0x290] =	vst v53  }
0x54: {  	v58 =	vld [tilespmem:$0x100];
	v57 =	vadd.s32 v11, v48;
	[tilespmem:$0x2A0] =	vst v55  }
0x55: {  	v60 =	vld [tilespmem:$0x110];
	v59 =	vadd.s32 v12, v50;
	[tilespmem:$0x2B0] =	vst v57  }
0x56: {  	v61 =	vadd.s32 v13, v52;
	v40 =	vld [tilespmem:$0x130];
	[tilespmem:$0x2C0] =	vst v59  }
0x57: {  	v63 =	vadd.s32 v14, v54;
	v42 =	vld [tilespmem:$0x140];
	[tilespmem:$0x2D0] =	vst v61  }
0x58: {  	v44 =	vld [tilespmem:$0x150];
	[tilespmem:$0x2E0] =	vst v63;
	v41 =	vadd.s32 v15, v56  }
0x59: {  	v46 =	vld [tilespmem:$0x160];
	v43 =	vadd.s32 v16, v58;
	[tilespmem:$0x2F0] =	vst v41  }
0x5a: {  	v48 =	vld [tilespmem:$0x170];
	v45 =	vadd.s32 v17, v60;
	[tilespmem:$0x300] =	vst v43  }
0x5b: {  	v50 =	vld [tilespmem:$0x180];
	[tilespmem:$0x310] =	vst v45;
	v49 =	vadd.s32 v19, v40  }
0x5c: {  	v62 =	vld [tilespmem:$0x120];
	v51 =	vadd.s32 v20, v42;
	[tilespmem:$0x330] =	vst v49  }
0x5d: {  	v53 =	vld [tilespmem:$0x190];
	v52 =	vadd.s32 v21, v44;
	[tilespmem:$0x340] =	vst v51  }
0x5e: {  	v58 =	vld [tilespmem:$0x1A0];
	v54 =	vadd.s32 v22, v46;
	[tilespmem:$0x350] =	vst v52  }
0x5f: {  	v59 =	vld [tilespmem:$0x1B0];
	v55 =	vadd.s32 v23, v48;
	[tilespmem:$0x360] =	vst v54  }
0x60: {  	v60 =	vld [tilespmem:$0x1C0];
	v56 =	vadd.s32 v24, v50;
	[tilespmem:$0x370] =	vst v55  }
0x61: {  	v61 =	vld [tilespmem:$0x1D0];
	v47 =	vadd.s32 v18, v62;
	[tilespmem:$0x380] =	vst v56  }
0x62: {  	v57 =	vadd.s32 v25, v53;
	v62 =	vld [tilespmem:$0x1E0];
	[tilespmem:$0x320] =	vst v47  }
0x63: {  	v63 =	vld [tilespmem:$0x1F0];
	v33 =	vadd.s32 v26, v58;
	[tilespmem:$0x390] =	vst v57  }
0x64: {  	[tilespmem:$0x3A0] =	vst v33;
	v33 =	vadd.s32 v27, v59  }
0x65: {  	[tilespmem:$0x3B0] =	vst v33;
	v33 =	vadd.s32 v28, v60  }
0x66: {  	[tilespmem:$0x3C0] =	vst v33;
	v33 =	vadd.s32 v29, v61  }
0x67: {  	[tilespmem:$0x3D0] =	vst v33;
	v33 =	vadd.s32 v30, v62  }
0x68: {  	[tilespmem:$0x3E0] =	vst v33;
	v33 =	vadd.s32 v31, v63  }
0x69: {  	[tilespmem:$0x3F0] =	vst v33  }
0x6a: {  	[hbm4b:s2+s7] =	stream.indirect.scatter [tilespmem:s9], [sflag:$0x1], $0x1, s8, s7, $0xb8;
	[tilespmem:$0x600] =	vst v63  }
0x6b: {  	_ = 	snop  }
0x6c: {  	[hbm4b:s2+s7] =	stream.indirect.scatter [tilespmem:s11], [sflag:$0x1], $0x1, s10, s7, $0xb8;
	[tilespmem:$0x600] =	vst v63  }
0x6d: {  	_ = 	snop  }
0x6e: {  	[hbm4b:s2+s7] =	stream.indirect.scatter [tilespmem:s13], [sflag:$0x1], $0x1, s12, s7, $0xb8;
	[tilespmem:$0x600] =	vst v63  }
0x6f: {  	_ = 	snop  }
0x70: {  	[hbm4b:s2+s7] =	stream.indirect.scatter [tilespmem:s15], [sflag:$0x1], $0x1, s14, s7, $0xb8;
	[tilespmem:$0x600] =	vst v63  }
0x71: {  	_ =	swait.ge [sflag:s16], $0x80  }
0x72: {  	[sflag:s16] =	ssyncset.done $0x0  }
0x73: {  	[sflag:s16] =	ssyncadd.s32 $0xFFFFFF80  }
0x74: {  	_ =	swait.ge [sflag:s16], $0x80  }
0x75: {  	[sflag:s16] =	ssyncset.done $0x0  }
0x76: {  	[sflag:s16] =	ssyncadd.s32 $0xFFFFFF80  }
0x77: {  	p0 =	sne.s32 s5, $0x1;
	_ =	swait.ge [sflag:s16], $0x80  }
.Ltmp0:
0x78: {  	[sflag:s16] =	ssyncset.done $0x0;
	(pc) =	sbr.rel @p0 .LBB2_1-.Ltmp0, $4  }
0x79: {  	[sflag:s16] =	ssyncadd.s32 $0xFFFFFF80  }
0x7a: {  	_ =	swait.ge [sflag:s16], $0x80  }
0x7b: {  	[sflag:s16] =	ssyncset.done $0x0  }
0x7c: {  	s5 =	sadd.s32 $0xFFFFFFFF, s5;
	[sflag:s16] =	ssyncadd.s32 $0xFFFFFF80  }
0x7d: {  	_ =	sfence.sel $0x180000  }
0x7e: {  	[bflag:$0x0] =	sbarrier.arrive $0xFFFF  }
0x7f: {  	p0 =	sne.s32 s0, $0x0;
	_ =	strace $0x90000047  }
0x80: {  	s0 =	sadd.s32 @!p0 $0x100000, s1;
	[bflag:$0x2] =	sbarrier.arrive $0xFFFF  }
0x81: {  	[sflag:s0] =	ssyncadd.tile.s32 @!p0 $0x1;
	_ =	shalt  }
.Lfunc_end2:
_tile_overlayer_lowered:
.L_overlay_start_2:
0x82: {  	(tag) =	ssettag $0x2  }
0x83: {  	s0 =	rddreg [dreg:$0x0];
	s2 =	stileid.u32  }
0x84: {  	s1 =	rddreg [dreg:$0x1];
	p0 =	sne.s32 s2, $0x0  }
0x85: {  	s3 =	rddreg [dreg:$0x2];
	[bflag:$0x3] =	sbarrier.arrive $0xFFFF;
	s2 =	simm.s32 @!p0 $0x1C02  }
0x86: {  	[timem:s3], [sflag:s2] =	dma.local @!p0 [hbm:s0], s1  }
0x87: {  	s0 =	simm.s32 @!p0 $0x2  }
0x88: {  	_ =	swait.ge @!p0 [sflag:s0], s1  }
0x89: {  	s1 =	ssub.s32 @!p0 $0x0, s1;
	[sflag:s0] =	ssyncset.done @!p0 $0x0  }
0x8a: {  	[sflag:s0] =	ssyncadd.s32 @!p0 s1  }
0x8b: {  	[bflag:$0x3] =	sbarrier.arrive $0xFFFF  }
0x8c: {  	_ =	shalt  }

</sc_bundles>
